<compile_context>
chip_gen: v7x
topology: tpu7x:2x2x1
jax: 0.10.2.dev20260603
libtpu: 0.0.44.dev20260713+nightly
codegen_flags: <defaults>
</compile_context>

<pallas_src>
import functools

import jax
import jax.numpy as jnp
import numpy as np
from jax import lax
from jax.experimental import pallas as pl
from jax.experimental.pallas import tpu as pltpu
from jax.experimental.pallas import tpu_sc as plsc

B, S, D, H, DFF, E = 1, 2048, 768, 12, 2048, 8
DH = D // H
QCH = 256

P2 = 2 * S
RB = 256
NBLK_MAX = P2 // RB + E
PMAX = NBLK_MAX * RB

NC, NS = 2, 16
NW = NC * NS
PPW = P2 // NW
CH = 128

_INV_SQRT2 = np.float32(1.0 / np.sqrt(2.0))
_INV_SQRT_DH = np.float32(1.0 / np.sqrt(DH))
_NT = (((1,), (1,)), ((), ()))


def _gelu(x):
    return 0.5 * x * (1.0 + jax.lax.erf(x * _INV_SQRT2))


def _ntdot(a, b):
    return jax.lax.dot_general(a, b, _NT, preferred_element_type=jnp.float32)


def _qkv_kernel(x_ref, w_ref, b_ref, qkv_ref):
    qkv_ref[...] = _ntdot(x_ref[...], w_ref[...]) + b_ref[...]


def _attn_kernel(q_ref, k_ref, v_ref, o_ref):
    for sub in range(2):
        q = q_ref[:, sub * DH:(sub + 1) * DH]
        k = k_ref[:, sub * DH:(sub + 1) * DH]
        v = v_ref[:, sub * DH:(sub + 1) * DH]
        for c in range(S // QCH):
            qc = q[c * QCH:(c + 1) * QCH, :]
            s = _ntdot(qc, k) * _INV_SQRT_DH
            m = jnp.max(s, axis=-1, keepdims=True)
            p = jnp.exp(s - m)
            z = jnp.sum(p, axis=-1, keepdims=True)
            o_ref[sub, c * QCH:(c + 1) * QCH, :] = jnp.dot(
                p, v, preferred_element_type=jnp.float32) / z


def _router_kernel(o_ref, w_ref, b_ref, x_ref, g1_ref, b1_ref, gw_ref,
                   gb_ref, x1_ref, vals_ref, dest_ref, be_ref, nu_ref):
    a = b_ref[...]
    for hh in range(H):
        a = a + _ntdot(o_ref[hh], w_ref[:, hh * DH:(hh + 1) * DH])
    h = x_ref[...] + a
    m = jnp.mean(h, axis=-1, keepdims=True)
    c = h - m
    v = jnp.mean(c * c, axis=-1, keepdims=True)
    x1 = c * jax.lax.rsqrt(v + 1e-5) * g1_ref[...] + b1_ref[...]
    x1_ref[...] = x1

    logits = _ntdot(x1, gw_ref[...]) + gb_ref[...]
    lm = jnp.max(logits, axis=-1, keepdims=True)
    p = jnp.exp(logits - lm)
    p = p / jnp.sum(p, axis=-1, keepdims=True)

    iota = jax.lax.broadcasted_iota(jnp.int32, (S, E), 1)
    m0 = jnp.max(p, axis=-1, keepdims=True)
    i0 = jnp.min(jnp.where(p == m0, iota, E), axis=-1, keepdims=True)
    oh0 = (iota == i0)
    p2 = jnp.where(oh0, -jnp.inf, p)
    m1 = jnp.max(p2, axis=-1, keepdims=True)
    i1 = jnp.min(jnp.where(p2 == m1, iota, E), axis=-1, keepdims=True)
    oh1 = (iota == i1)
    vals_ref[...] = jnp.concatenate([m0, m1], axis=1)

    ohp = jnp.concatenate([oh0.astype(jnp.float32), oh1.astype(jnp.float32)],
                          axis=0)
    inc = ohp
    sh = 1
    while sh < P2:
        inc = inc + jnp.concatenate(
            [jnp.zeros((sh, E), jnp.float32), inc[:P2 - sh, :]], axis=0)
        sh *= 2
    counts = inc[P2 - 1:P2, :]
    nb = jnp.maximum(jnp.floor((counts + np.float32(RB - 1))
                               * np.float32(1.0 / RB)), 1.0)
    ui = jax.lax.broadcasted_iota(jnp.int32, (E, E), 0)
    uj = jax.lax.broadcasted_iota(jnp.int32, (E, E), 1)
    upper = (ui < uj).astype(jnp.float32)
    excl = jnp.dot(nb, upper, preferred_element_type=jnp.float32)
    destf = jnp.sum(ohp * (np.float32(RB) * excl + inc - 1.0),
                    axis=1, keepdims=True)
    dest_ref[...] = destf.astype(jnp.int32)

    end = excl + nb
    ji = jax.lax.broadcasted_iota(
        jnp.int32, (NBLK_MAX, E), 0).astype(jnp.float32)
    be = jnp.sum((ji >= end).astype(jnp.float32), axis=1, keepdims=True)
    be_ref[...] = jnp.minimum(be, np.float32(E - 1)).astype(jnp.int32)
    nu_ref[...] = jnp.sum(nb, axis=1, keepdims=True).astype(jnp.int32)


@functools.lru_cache(maxsize=None)
def _sc_kernels():
    mesh = plsc.VectorSubcoreMesh(core_axis_name="c", subcore_axis_name="s")
    scratch = [
        pltpu.VMEM((CH,), jnp.int32),
        pltpu.VMEM((CH, D), jnp.float32),
        pltpu.SemaphoreType.DMA,
    ]

    @functools.partial(
        pl.kernel, mesh=mesh,
        out_type=jax.ShapeDtypeStruct((PMAX, D), jnp.float32),
        scratch_types=scratch,
    )
    def dispatch(x1_hbm, dest_hbm, gath_hbm, idx_v, rows_v, sem):
        wid = lax.axis_index("s") * NC + lax.axis_index("c")
        base = wid * PPW
        for cc in range(PPW // CH):
            off = base + cc * CH
            pltpu.sync_copy(dest_hbm.at[pl.ds(off, CH)], idx_v)
            tok = jnp.where(off >= S, off - S, off)
            pltpu.sync_copy(x1_hbm.at[pl.ds(tok, CH)], rows_v)
            pltpu.async_copy(rows_v, gath_hbm.at[idx_v], sem).wait()

    @functools.partial(
        pl.kernel, mesh=mesh,
        out_type=jax.ShapeDtypeStruct((P2, D), jnp.float32),
        scratch_types=scratch,
    )
    def collect(y_hbm, dest_hbm, y01_hbm, idx_v, rows_v, sem):
        wid = lax.axis_index("s") * NC + lax.axis_index("c")
        base = wid * PPW
        for cc in range(PPW // CH):
            off = base + cc * CH
            pltpu.sync_copy(dest_hbm.at[pl.ds(off, CH)], idx_v)
            pltpu.async_copy(y_hbm.at[idx_v], rows_v, sem).wait()
            pltpu.sync_copy(rows_v, y01_hbm.at[pl.ds(off, CH)])

    return dispatch, collect


def _sc_dispatch(x1, dest1):
    return _sc_kernels()[0](x1, dest1)


def _sc_collect(y, dest1):
    return _sc_kernels()[1](y, dest1)


def _ffn_kernel(meta_ref, g_ref, w1_ref, b1_ref, w2_ref, b2_ref,
                y_ref, base_ref):
    j = pl.program_id(0)

    @pl.when(j < meta_ref[NBLK_MAX])
    def _():
        b1v = b1_ref[0]
        gb1 = _gelu(b1v)
        h = _gelu(_ntdot(g_ref[...], w1_ref[0]) + b1v) - gb1
        w2v = w2_ref[0]
        y_ref[...] = _ntdot(h, w2v)
        base_ref[0] = _ntdot(gb1, w2v) + b2_ref[0]


def _combine_kernel(x1_ref, y01_ref, vals_ref, base_ref, g2_ref, be2_ref,
                    out_ref):
    v0 = vals_ref[:, 0:1]
    v1 = vals_ref[:, 1:2]
    bsum = jnp.sum(base_ref[:, 0, :], axis=0, keepdims=True)
    z = (x1_ref[...] + v0 * y01_ref[0] + v1 * y01_ref[1] + (v0 + v1) * bsum)
    m = jnp.mean(z, axis=-1, keepdims=True)
    c = z - m
    v = jnp.mean(c * c, axis=-1, keepdims=True)
    out_ref[...] = c * jax.lax.rsqrt(v + 1e-5) * g2_ref[...] + be2_ref[...]


def kernel(x, in_proj_w, in_proj_b, out_proj_w, out_proj_b, ln1_g, ln1_b,
           ln2_g, ln2_b, gate_w, gate_b, w1, b1, w2, b2):
    f32 = jnp.float32
    xs = x.reshape(S, D)

    qkv = pl.pallas_call(
        _qkv_kernel,
        in_specs=[
            pl.BlockSpec((S, D), lambda: (0, 0)),
            pl.BlockSpec((3 * D, D), lambda: (0, 0)),
            pl.BlockSpec((1, 3 * D), lambda: (0, 0)),
        ],
        out_specs=pl.BlockSpec((S, 3 * D), lambda: (0, 0)),
        out_shape=jax.ShapeDtypeStruct((S, 3 * D), f32),
    )(xs, in_proj_w, in_proj_b.reshape(1, 3 * D))

    H2 = H // 2
    attn_o = pl.pallas_call(
        _attn_kernel,
        grid=(H2,),
        in_specs=[
            pl.BlockSpec((S, 2 * DH), lambda i: (0, i)),
            pl.BlockSpec((S, 2 * DH), lambda i: (0, H2 + i)),
            pl.BlockSpec((S, 2 * DH), lambda i: (0, 2 * H2 + i)),
        ],
        out_specs=pl.BlockSpec((2, S, DH), lambda i: (i, 0, 0)),
        out_shape=jax.ShapeDtypeStruct((H, S, DH), f32),
    )(qkv, qkv, qkv)

    x1, vals, dest, be, nu = pl.pallas_call(
        _router_kernel,
        in_specs=[
            pl.BlockSpec((H, S, DH), lambda: (0, 0, 0)),
            pl.BlockSpec((D, D), lambda: (0, 0)),
            pl.BlockSpec((1, D), lambda: (0, 0)),
            pl.BlockSpec((S, D), lambda: (0, 0)),
            pl.BlockSpec((1, D), lambda: (0, 0)),
            pl.BlockSpec((1, D), lambda: (0, 0)),
            pl.BlockSpec((E, D), lambda: (0, 0)),
            pl.BlockSpec((1, E), lambda: (0, 0)),
        ],
        out_specs=[
            pl.BlockSpec((S, D), lambda: (0, 0)),
            pl.BlockSpec((S, 2), lambda: (0, 0)),
            pl.BlockSpec((P2, 1), lambda: (0, 0)),
            pl.BlockSpec((NBLK_MAX, 1), lambda: (0, 0)),
            pl.BlockSpec((1, 1), lambda: (0, 0)),
        ],
        out_shape=[
            jax.ShapeDtypeStruct((S, D), f32),
            jax.ShapeDtypeStruct((S, 2), f32),
            jax.ShapeDtypeStruct((P2, 1), jnp.int32),
            jax.ShapeDtypeStruct((NBLK_MAX, 1), jnp.int32),
            jax.ShapeDtypeStruct((1, 1), jnp.int32),
        ],
    )(attn_o, out_proj_w, out_proj_b.reshape(1, D), xs,
      ln1_g.reshape(1, D), ln1_b.reshape(1, D), gate_w,
      gate_b.reshape(1, E))

    dest1 = dest.reshape(P2)
    meta = jnp.concatenate([be.reshape(NBLK_MAX), nu.reshape(1)])

    gathered = _sc_dispatch(x1, dest1)

    b1r = b1.reshape(E, 1, DFF)
    b2r = b2.reshape(E, 1, D)
    y, base_mat = pl.pallas_call(
        _ffn_kernel,
        grid_spec=pltpu.PrefetchScalarGridSpec(
            num_scalar_prefetch=1,
            grid=(NBLK_MAX,),
            in_specs=[
                pl.BlockSpec((RB, D), lambda j, meta: (j, 0)),
                pl.BlockSpec((1, DFF, D), lambda j, meta: (meta[j], 0, 0)),
                pl.BlockSpec((1, 1, DFF), lambda j, meta: (meta[j], 0, 0)),
                pl.BlockSpec((1, D, DFF), lambda j, meta: (meta[j], 0, 0)),
                pl.BlockSpec((1, 1, D), lambda j, meta: (meta[j], 0, 0)),
            ],
            out_specs=[
                pl.BlockSpec((RB, D), lambda j, meta: (j, 0)),
                pl.BlockSpec((1, 1, D), lambda j, meta: (meta[j], 0, 0)),
            ],
        ),
        out_shape=[
            jax.ShapeDtypeStruct((PMAX, D), f32),
            jax.ShapeDtypeStruct((E, 1, D), f32),
        ],
    )(meta, gathered, w1, b1r, w2, b2r)

    y01 = _sc_collect(y, dest1).reshape(2, S, D)

    out = pl.pallas_call(
        _combine_kernel,
        in_specs=[
            pl.BlockSpec((S, D), lambda: (0, 0)),
            pl.BlockSpec((2, S, D), lambda: (0, 0, 0)),
            pl.BlockSpec((S, 2), lambda: (0, 0)),
            pl.BlockSpec((E, 1, D), lambda: (0, 0, 0)),
            pl.BlockSpec((1, D), lambda: (0, 0)),
            pl.BlockSpec((1, D), lambda: (0, 0)),
        ],
        out_specs=pl.BlockSpec((S, D), lambda: (0, 0)),
        out_shape=jax.ShapeDtypeStruct((S, D), f32),
    )(x1, y01, vals, base_mat, ln2_g.reshape(1, D), ln2_b.reshape(1, D))

    return out.reshape(B, S, D)

# --- scband reference (transcript-rebuilt; emitter-appended) ---
"""Pipeline reference for scband-mo-eblock-4260607557960 (READ-ONLY COPY).

The authoritative reference and input builder live on the scoring server;
editing this copy changes nothing except your own understanding.
"""

import jax, jax.numpy as jnp
import numpy as np

B, S, D, H, DFF, E = 1, 2048, 768, 12, 2048, 8
DH = D // H

def setup_inputs(seed: int = 0):
    key = jax.random.key(seed)
    ks = jax.random.split(key, 10)
    s = 1.0 / np.sqrt(D)
    sf = 1.0 / np.sqrt(D)
    sf2 = 1.0 / np.sqrt(DFF)
    inp = {}
    inp['x'] = jax.random.normal(ks[0], (B, S, D), dtype=jnp.float32)
    inp['in_proj_w'] = jax.random.uniform(ks[1], (3 * D, D), minval=-s, maxval=s, dtype=jnp.float32)
    inp['in_proj_b'] = jnp.zeros((3 * D,), dtype=jnp.float32)
    inp['out_proj_w'] = jax.random.uniform(ks[2], (D, D), minval=-s, maxval=s, dtype=jnp.float32)
    inp['out_proj_b'] = jnp.zeros((D,), dtype=jnp.float32)
    inp['ln1_g'] = jnp.ones((D,), dtype=jnp.float32)
    inp['ln1_b'] = jnp.zeros((D,), dtype=jnp.float32)
    inp['ln2_g'] = jnp.ones((D,), dtype=jnp.float32)
    inp['ln2_b'] = jnp.zeros((D,), dtype=jnp.float32)
    inp['gate_w'] = jax.random.uniform(ks[3], (E, D), minval=-s, maxval=s, dtype=jnp.float32)
    inp['gate_b'] = jnp.zeros((E,), dtype=jnp.float32)
    inp['w1'] = jax.random.uniform(ks[4], (E, DFF, D), minval=-sf, maxval=sf, dtype=jnp.float32)
    inp['b1'] = jax.random.uniform(ks[5], (E, DFF), minval=-sf, maxval=sf, dtype=jnp.float32)
    inp['w2'] = jax.random.uniform(ks[6], (E, D, DFF), minval=-sf2, maxval=sf2, dtype=jnp.float32)
    inp['b2'] = jax.random.uniform(ks[7], (E, D), minval=-sf2, maxval=sf2, dtype=jnp.float32)
    return inp

def layer_norm(x, g, b, eps=1e-5):
    m = jnp.mean(x, axis=-1, keepdims=True)
    v = jnp.var(x, axis=-1, keepdims=True)
    return (x - m) / jnp.sqrt(v + eps) * g + b

def gelu(x):
    return 0.5 * x * (1.0 + jax.lax.erf(x / jnp.sqrt(2.0).astype(x.dtype)))

def mha(x, in_w, in_b, out_w, out_b):
    qkv = x @ in_w.T + in_b
    q, k, v = jnp.split(qkv, 3, axis=-1)
    def heads(t):
        return t.reshape(B, S, H, DH).transpose(0, 2, 1, 3)
    q, k, v = heads(q), heads(k), heads(v)
    att = (q @ k.transpose(0, 1, 3, 2)) / np.sqrt(DH)
    att = jax.nn.softmax(att, axis=-1)
    o = (att @ v).transpose(0, 2, 1, 3).reshape(B, S, D)
    return o @ out_w.T + out_b

def reference(x, in_proj_w, in_proj_b, out_proj_w, out_proj_b, ln1_g, ln1_b, ln2_g, ln2_b, gate_w, gate_b, w1, b1, w2, b2):
    a = mha(x, in_proj_w, in_proj_b, out_proj_w, out_proj_b)
    x1 = layer_norm(x + a, ln1_g, ln1_b)
    logits = x1 @ gate_w.T + gate_b
    probs = jax.nn.softmax(logits, axis=-1)
    vals, idx = jax.lax.top_k(probs, 2)
    out = jnp.zeros_like(x1)
    for kk in range(2):
        chosen = idx[..., kk]
        w = vals[..., kk][..., None]
        expert_out = jnp.zeros_like(x1)
        for e in range(E):
            mask = (chosen == e)[..., None].astype(x1.dtype)
            h = gelu((x1 * mask) @ w1[e].T + b1[e])
            expert_out = expert_out + h @ w2[e].T + b2[e]
        out = out + w * expert_out
    return layer_norm(x1 + out, ln2_g, ln2_b)

if __name__ == "__main__":
    import jax
    _d = setup_inputs()
    print(jax.jit(kernel)(*tuple(_d.values())))

</pallas_src>

<mosaic_0001>
#map = affine_map<(d0, d1) -> (0, 0)>
#map1 = affine_map<(d0, d1) -> (0)>
module attributes {stable_mosaic.version = 14 : i64} {
  func.func @dispatch(%arg0: i32, %arg1: i32, %arg2: memref<2048x768xf32, #tpu.memory_space<hbm>>, %arg3: memref<4096xi32, #tpu.memory_space<hbm>>, %arg4: memref<6144x768xf32, #tpu.memory_space<hbm>>, %arg5: memref<128xi32, #tpu.memory_space<vmem>>, %arg6: memref<128x768xf32, #tpu.memory_space<vmem>>, %arg7: memref<!tpu.dma_semaphore, #tpu.memory_space<semaphore_mem>>) attributes {dimension_semantics = [#tpu.dimension_semantics<core_parallel>, #tpu.dimension_semantics<subcore_parallel>], iteration_bounds = array<i64: 2, 16>, scalar_prefetch = 0 : i64, scratch_operands = 3 : i64, tpu.core_type = #tpu.core_type<sc_vector_subcore>, window_params = [{transform_indices = #map}, {transform_indices = #map1}, {transform_indices = #map}]} {
    %mul3A = arith.constant 2 : i32
    %mul3A_0 = arith.muli %arg1, %mul3A : i32
    %add3A = arith.addi %mul3A_0, %arg0 : i32
    %mul3A_1 = arith.constant 128 : i32
    %mul3A_2 = arith.muli %add3A, %mul3A_1 : i32
    %add3A_3 = arith.constant 0 : i32
    %add3A_4 = arith.addi %mul3A_2, %add3A_3 : i32
    "tpu.region"() ({
      %run_scoped3A = tpu.sem_alloc : memref<!tpu.dma_semaphore, #tpu.memory_space<semaphore_mem>>
      %dma_start3A_11 = tpu.memref_slice %arg3[%add3A_4] : memref<4096xi32, #tpu.memory_space<hbm>> -> memref<128xi32, #tpu.memory_space<hbm>>
      %dma_start3A_12 = tpu.memref_slice %arg3[%add3A_4] : memref<4096xi32, #tpu.memory_space<hbm>> -> memref<128xi32, #tpu.memory_space<hbm>>
      tpu.enqueue_dma source(%dma_start3A_12 : memref<128xi32, #tpu.memory_space<hbm>>) target(%arg5 : memref<128xi32, #tpu.memory_space<vmem>>) target_semaphore(%run_scoped3A : memref<!tpu.dma_semaphore, #tpu.memory_space<semaphore_mem>>)
      %dma_wait3A_13 = tpu.memref_slice %arg3[%add3A_4] : memref<4096xi32, #tpu.memory_space<hbm>> -> memref<128xi32, #tpu.memory_space<hbm>>
      %dma_wait3A_14 = tpu.memref_slice %arg3[%add3A_4] : memref<4096xi32, #tpu.memory_space<hbm>> -> memref<128xi32, #tpu.memory_space<hbm>>
      tpu.wait_dma2 semaphore(%run_scoped3A : memref<!tpu.dma_semaphore, #tpu.memory_space<semaphore_mem>>) src(%dma_wait3A_14 : memref<128xi32, #tpu.memory_space<hbm>>) dst(%arg5 : memref<128xi32, #tpu.memory_space<vmem>>)
      tpu.yield
    }) : () -> ()
    %ge3A = arith.constant 2048 : i32
    %ge3A_5 = arith.cmpi sge, %add3A_4, %ge3A : i32
    %sub3A = arith.constant 2048 : i32
    %sub3A_6 = arith.subi %add3A_4, %sub3A : i32
    %select_n3A = arith.select %ge3A_5, %sub3A_6, %add3A_4 : i32
    "tpu.region"() ({
      %run_scoped3A = tpu.sem_alloc : memref<!tpu.dma_semaphore, #tpu.memory_space<semaphore_mem>>
      %dma_start3A_11 = arith.constant 0 : i32
      %dma_start3A_12 = tpu.memref_slice %arg2[%select_n3A, %dma_start3A_11] : memref<2048x768xf32, #tpu.memory_space<hbm>> -> memref<128x768xf32, #tpu.memory_space<hbm>>
      %dma_start3A_13 = arith.constant 0 : i32
      %dma_start3A_14 = tpu.memref_slice %arg2[%select_n3A, %dma_start3A_13] : memref<2048x768xf32, #tpu.memory_space<hbm>> -> memref<128x768xf32, #tpu.memory_space<hbm>>
      tpu.enqueue_dma source(%dma_start3A_14 : memref<128x768xf32, #tpu.memory_space<hbm>>) target(%arg6 : memref<128x768xf32, #tpu.memory_space<vmem>>) target_semaphore(%run_scoped3A : memref<!tpu.dma_semaphore, #tpu.memory_space<semaphore_mem>>)
      %dma_wait3A_15 = arith.constant 0 : i32
      %dma_wait3A_16 = tpu.memref_slice %arg2[%select_n3A, %dma_wait3A_15] : memref<2048x768xf32, #tpu.memory_space<hbm>> -> memref<128x768xf32, #tpu.memory_space<hbm>>
      %dma_wait3A_17 = arith.constant 0 : i32
      %dma_wait3A_18 = tpu.memref_slice %arg2[%select_n3A, %dma_wait3A_17] : memref<2048x768xf32, #tpu.memory_space<hbm>> -> memref<128x768xf32, #tpu.memory_space<hbm>>
      tpu.wait_dma2 semaphore(%run_scoped3A : memref<!tpu.dma_semaphore, #tpu.memory_space<semaphore_mem>>) src(%dma_wait3A_18 : memref<128x768xf32, #tpu.memory_space<hbm>>) dst(%arg6 : memref<128x768xf32, #tpu.memory_space<vmem>>)
      tpu.yield
    }) : () -> ()
    %dma_start3A = arith.constant 0 : i32
    %dma_start3A_7 = arith.constant 0 : i32
    %dma_start3A_8 = tpu.memref_slice %arg4[%dma_start3A, %dma_start3A_7] : memref<6144x768xf32, #tpu.memory_space<hbm>> -> memref<6144x768xf32, #tpu.memory_space<hbm>>
    tpu.enqueue_indirect_dma source(%arg6 : memref<128x768xf32, #tpu.memory_space<vmem>>) target(%dma_start3A_8 : memref<6144x768xf32, #tpu.memory_space<hbm>>) offsets(%arg5 : memref<128xi32, #tpu.memory_space<vmem>>) semaphore(%arg7 : memref<!tpu.dma_semaphore, #tpu.memory_space<semaphore_mem>>)
    %dma_wait3A = arith.constant 0 : i32
    %dma_wait3A_9 = arith.constant 0 : i32
    %dma_wait3A_10 = tpu.memref_slice %arg4[%dma_wait3A, %dma_wait3A_9] : memref<6144x768xf32, #tpu.memory_space<hbm>> -> memref<6144x768xf32, #tpu.memory_space<hbm>>
    tpu.wait_indirect_dma semaphore(%arg7 : memref<!tpu.dma_semaphore, #tpu.memory_space<semaphore_mem>>) src(%arg6 : memref<128x768xf32, #tpu.memory_space<vmem>>) dst(%dma_wait3A_10 : memref<6144x768xf32, #tpu.memory_space<hbm>>)
    return
  }
}

#map = affine_map<(d0, d1) -> (0, 0)>
#map1 = affine_map<(d0, d1) -> (0)>
module attributes {stable_mosaic.version = 14 : i64} {
  func.func @collect(%arg0: i32, %arg1: i32, %arg2: memref<6144x768xf32, #tpu.memory_space<hbm>>, %arg3: memref<4096xi32, #tpu.memory_space<hbm>>, %arg4: memref<4096x768xf32, #tpu.memory_space<hbm>>, %arg5: memref<128xi32, #tpu.memory_space<vmem>>, %arg6: memref<128x768xf32, #tpu.memory_space<vmem>>, %arg7: memref<!tpu.dma_semaphore, #tpu.memory_space<semaphore_mem>>) attributes {dimension_semantics = [#tpu.dimension_semantics<core_parallel>, #tpu.dimension_semantics<subcore_parallel>], iteration_bounds = array<i64: 2, 16>, scalar_prefetch = 0 : i64, scratch_operands = 3 : i64, tpu.core_type = #tpu.core_type<sc_vector_subcore>, window_params = [{transform_indices = #map}, {transform_indices = #map1}, {transform_indices = #map}]} {
    %mul3A = arith.constant 2 : i32
    %mul3A_0 = arith.muli %arg1, %mul3A : i32
    %add3A = arith.addi %mul3A_0, %arg0 : i32
    %mul3A_1 = arith.constant 128 : i32
    %mul3A_2 = arith.muli %add3A, %mul3A_1 : i32
    %add3A_3 = arith.constant 0 : i32
    %add3A_4 = arith.addi %mul3A_2, %add3A_3 : i32
    "tpu.region"() ({
      %run_scoped3A = tpu.sem_alloc : memref<!tpu.dma_semaphore, #tpu.memory_space<semaphore_mem>>
      %dma_start3A_9 = tpu.memref_slice %arg3[%add3A_4] : memref<4096xi32, #tpu.memory_space<hbm>> -> memref<128xi32, #tpu.memory_space<hbm>>
      %dma_start3A_10 = tpu.memref_slice %arg3[%add3A_4] : memref<4096xi32, #tpu.memory_space<hbm>> -> memref<128xi32, #tpu.memory_space<hbm>>
      tpu.enqueue_dma source(%dma_start3A_10 : memref<128xi32, #tpu.memory_space<hbm>>) target(%arg5 : memref<128xi32, #tpu.memory_space<vmem>>) target_semaphore(%run_scoped3A : memref<!tpu.dma_semaphore, #tpu.memory_space<semaphore_mem>>)
      %dma_wait3A_11 = tpu.memref_slice %arg3[%add3A_4] : memref<4096xi32, #tpu.memory_space<hbm>> -> memref<128xi32, #tpu.memory_space<hbm>>
      %dma_wait3A_12 = tpu.memref_slice %arg3[%add3A_4] : memref<4096xi32, #tpu.memory_space<hbm>> -> memref<128xi32, #tpu.memory_space<hbm>>
      tpu.wait_dma2 semaphore(%run_scoped3A : memref<!tpu.dma_semaphore, #tpu.memory_space<semaphore_mem>>) src(%dma_wait3A_12 : memref<128xi32, #tpu.memory_space<hbm>>) dst(%arg5 : memref<128xi32, #tpu.memory_space<vmem>>)
      tpu.yield
    }) : () -> ()
    %dma_start3A = arith.constant 0 : i32
    %dma_start3A_5 = arith.constant 0 : i32
    %dma_start3A_6 = tpu.memref_slice %arg2[%dma_start3A, %dma_start3A_5] : memref<6144x768xf32, #tpu.memory_space<hbm>> -> memref<6144x768xf32, #tpu.memory_space<hbm>>
    tpu.enqueue_indirect_dma source(%dma_start3A_6 : memref<6144x768xf32, #tpu.memory_space<hbm>>) target(%arg6 : memref<128x768xf32, #tpu.memory_space<vmem>>) offsets(%arg5 : memref<128xi32, #tpu.memory_space<vmem>>) semaphore(%arg7 : memref<!tpu.dma_semaphore, #tpu.memory_space<semaphore_mem>>)
    %dma_wait3A = arith.constant 0 : i32
    %dma_wait3A_7 = arith.constant 0 : i32
    %dma_wait3A_8 = tpu.memref_slice %arg2[%dma_wait3A, %dma_wait3A_7] : memref<6144x768xf32, #tpu.memory_space<hbm>> -> memref<6144x768xf32, #tpu.memory_space<hbm>>
    tpu.wait_indirect_dma semaphore(%arg7 : memref<!tpu.dma_semaphore, #tpu.memory_space<semaphore_mem>>) src(%dma_wait3A_8 : memref<6144x768xf32, #tpu.memory_space<hbm>>) dst(%arg6 : memref<128x768xf32, #tpu.memory_space<vmem>>)
    "tpu.region"() ({
      %run_scoped3A = tpu.sem_alloc : memref<!tpu.dma_semaphore, #tpu.memory_space<semaphore_mem>>
      %dma_start3A_9 = arith.constant 0 : i32
      %dma_start3A_10 = tpu.memref_slice %arg4[%add3A_4, %dma_start3A_9] : memref<4096x768xf32, #tpu.memory_space<hbm>> -> memref<128x768xf32, #tpu.memory_space<hbm>>
      %dma_start3A_11 = arith.constant 0 : i32
      %dma_start3A_12 = tpu.memref_slice %arg4[%add3A_4, %dma_start3A_11] : memref<4096x768xf32, #tpu.memory_space<hbm>> -> memref<128x768xf32, #tpu.memory_space<hbm>>
      tpu.enqueue_dma source(%arg6 : memref<128x768xf32, #tpu.memory_space<vmem>>) target(%dma_start3A_12 : memref<128x768xf32, #tpu.memory_space<hbm>>) target_semaphore(%run_scoped3A : memref<!tpu.dma_semaphore, #tpu.memory_space<semaphore_mem>>)
      %dma_wait3A_13 = arith.constant 0 : i32
      %dma_wait3A_14 = tpu.memref_slice %arg4[%add3A_4, %dma_wait3A_13] : memref<4096x768xf32, #tpu.memory_space<hbm>> -> memref<128x768xf32, #tpu.memory_space<hbm>>
      %dma_wait3A_15 = arith.constant 0 : i32
      %dma_wait3A_16 = tpu.memref_slice %arg4[%add3A_4, %dma_wait3A_15] : memref<4096x768xf32, #tpu.memory_space<hbm>> -> memref<128x768xf32, #tpu.memory_space<hbm>>
      tpu.wait_dma2 semaphore(%run_scoped3A : memref<!tpu.dma_semaphore, #tpu.memory_space<semaphore_mem>>) src(%arg6 : memref<128x768xf32, #tpu.memory_space<vmem>>) dst(%dma_wait3A_16 : memref<128x768xf32, #tpu.memory_space<hbm>>)
      tpu.yield
    }) : () -> ()
    return
  }
}

module attributes {stable_mosaic.version = 14 : i64} {
  func.func @_router_kernel(%arg0: memref<12x2048x64xf32, #tpu.memory_space<vmem>>, %arg1: memref<768x768xf32, #tpu.memory_space<vmem>>, %arg2: memref<1x768xf32, #tpu.memory_space<vmem>>, %arg3: memref<2048x768xf32, #tpu.memory_space<vmem>>, %arg4: memref<1x768xf32, #tpu.memory_space<vmem>>, %arg5: memref<1x768xf32, #tpu.memory_space<vmem>>, %arg6: memref<8x768xf32, #tpu.memory_space<vmem>>, %arg7: memref<1x8xf32, #tpu.memory_space<vmem>>, %arg8: memref<2048x768xf32, #tpu.memory_space<vmem>>, %arg9: memref<2048x2xf32, #tpu.memory_space<vmem>>, %arg10: memref<4096x1xi32, #tpu.memory_space<vmem>>, %arg11: memref<24x1xi32, #tpu.memory_space<vmem>>, %arg12: memref<1x1xi32, #tpu.memory_space<vmem>>) attributes {dimension_semantics = [], scalar_prefetch = 0 : i64, scratch_operands = 0 : i64, tpu.core_type = #tpu.core_type<tc>} {
    %get3A = arith.constant 0 : index
    %get3A_0 = arith.constant 0 : index
    %get3A_1 = vector.load %arg2[%get3A, %get3A_0] : memref<1x768xf32, #tpu.memory_space<vmem>>, vector<1x768xf32>
    %get3A_2 = arith.constant 0 : index
    %get3A_3 = arith.constant 0 : index
    %get3A_4 = arith.constant 0 : index
    %get3A_5 = vector.load %arg0[%get3A_2, %get3A_3, %get3A_4] : memref<12x2048x64xf32, #tpu.memory_space<vmem>>, vector<1x2048x64xf32>
    %get3A_6 = vector.shape_cast %get3A_5 : vector<1x2048x64xf32> to vector<2048x64xf32>
    %get3A_7 = arith.constant 0 : index
    %get3A_8 = arith.constant 0 : index
    %get3A_9 = vector.load %arg1[%get3A_7, %get3A_8] : memref<768x768xf32, #tpu.memory_space<vmem>>, vector<768x64xf32>
    %dot_general3A = arith.constant dense<0.000000e+00> : vector<2048x768xf32>
    %dot_general3A_10 = tpu.matmul %get3A_6, %get3A_9, %dot_general3A {dimension_numbers = #tpu.dot_dimension_numbers<[1], [1], [0], [0], [0, 0, 1, 0], [], []>, transpose_lhs_hint = false} : vector<2048x64xf32>, vector<768x64xf32>, vector<2048x768xf32> -> vector<2048x768xf32>
    %add3A = vector.broadcast %get3A_1 : vector<1x768xf32> to vector<2048x768xf32>
    %add3A_11 = arith.addf %add3A, %dot_general3A_10 : vector<2048x768xf32>
    %get3A_12 = arith.constant 1 : index
    %get3A_13 = arith.constant 0 : index
    %get3A_14 = arith.constant 0 : index
    %get3A_15 = vector.load %arg0[%get3A_12, %get3A_13, %get3A_14] : memref<12x2048x64xf32, #tpu.memory_space<vmem>>, vector<1x2048x64xf32>
    %get3A_16 = vector.shape_cast %get3A_15 : vector<1x2048x64xf32> to vector<2048x64xf32>
    %get3A_17 = arith.constant 0 : index
    %get3A_18 = arith.constant 64 : index
    %get3A_19 = vector.load %arg1[%get3A_17, %get3A_18] : memref<768x768xf32, #tpu.memory_space<vmem>>, vector<768x64xf32>
    %dot_general3A_20 = arith.constant dense<0.000000e+00> : vector<2048x768xf32>
    %dot_general3A_21 = tpu.matmul %get3A_16, %get3A_19, %dot_general3A_20 {dimension_numbers = #tpu.dot_dimension_numbers<[1], [1], [0], [0], [0, 0, 1, 0], [], []>, transpose_lhs_hint = false} : vector<2048x64xf32>, vector<768x64xf32>, vector<2048x768xf32> -> vector<2048x768xf32>
    %add3A_22 = arith.addf %add3A_11, %dot_general3A_21 : vector<2048x768xf32>
    %get3A_23 = arith.constant 2 : index
    %get3A_24 = arith.constant 0 : index
    %get3A_25 = arith.constant 0 : index
    %get3A_26 = vector.load %arg0[%get3A_23, %get3A_24, %get3A_25] : memref<12x2048x64xf32, #tpu.memory_space<vmem>>, vector<1x2048x64xf32>
    %get3A_27 = vector.shape_cast %get3A_26 : vector<1x2048x64xf32> to vector<2048x64xf32>
    %get3A_28 = arith.constant 0 : index
    %get3A_29 = arith.constant 128 : index
    %get3A_30 = vector.load %arg1[%get3A_28, %get3A_29] : memref<768x768xf32, #tpu.memory_space<vmem>>, vector<768x64xf32>
    %dot_general3A_31 = arith.constant dense<0.000000e+00> : vector<2048x768xf32>
    %dot_general3A_32 = tpu.matmul %get3A_27, %get3A_30, %dot_general3A_31 {dimension_numbers = #tpu.dot_dimension_numbers<[1], [1], [0], [0], [0, 0, 1, 0], [], []>, transpose_lhs_hint = false} : vector<2048x64xf32>, vector<768x64xf32>, vector<2048x768xf32> -> vector<2048x768xf32>
    %add3A_33 = arith.addf %add3A_22, %dot_general3A_32 : vector<2048x768xf32>
    %get3A_34 = arith.constant 3 : index
    %get3A_35 = arith.constant 0 : index
    %get3A_36 = arith.constant 0 : index
    %get3A_37 = vector.load %arg0[%get3A_34, %get3A_35, %get3A_36] : memref<12x2048x64xf32, #tpu.memory_space<vmem>>, vector<1x2048x64xf32>
    %get3A_38 = vector.shape_cast %get3A_37 : vector<1x2048x64xf32> to vector<2048x64xf32>
    %get3A_39 = arith.constant 0 : index
    %get3A_40 = arith.constant 192 : index
    %get3A_41 = vector.load %arg1[%get3A_39, %get3A_40] : memref<768x768xf32, #tpu.memory_space<vmem>>, vector<768x64xf32>
    %dot_general3A_42 = arith.constant dense<0.000000e+00> : vector<2048x768xf32>
    %dot_general3A_43 = tpu.matmul %get3A_38, %get3A_41, %dot_general3A_42 {dimension_numbers = #tpu.dot_dimension_numbers<[1], [1], [0], [0], [0, 0, 1, 0], [], []>, transpose_lhs_hint = false} : vector<2048x64xf32>, vector<768x64xf32>, vector<2048x768xf32> -> vector<2048x768xf32>
    %add3A_44 = arith.addf %add3A_33, %dot_general3A_43 : vector<2048x768xf32>
    %get3A_45 = arith.constant 4 : index
    %get3A_46 = arith.constant 0 : index
    %get3A_47 = arith.constant 0 : index
    %get3A_48 = vector.load %arg0[%get3A_45, %get3A_46, %get3A_47] : memref<12x2048x64xf32, #tpu.memory_space<vmem>>, vector<1x2048x64xf32>
    %get3A_49 = vector.shape_cast %get3A_48 : vector<1x2048x64xf32> to vector<2048x64xf32>
    %get3A_50 = arith.constant 0 : index
    %get3A_51 = arith.constant 256 : index
    %get3A_52 = vector.load %arg1[%get3A_50, %get3A_51] : memref<768x768xf32, #tpu.memory_space<vmem>>, vector<768x64xf32>
    %dot_general3A_53 = arith.constant dense<0.000000e+00> : vector<2048x768xf32>
    %dot_general3A_54 = tpu.matmul %get3A_49, %get3A_52, %dot_general3A_53 {dimension_numbers = #tpu.dot_dimension_numbers<[1], [1], [0], [0], [0, 0, 1, 0], [], []>, transpose_lhs_hint = false} : vector<2048x64xf32>, vector<768x64xf32>, vector<2048x768xf32> -> vector<2048x768xf32>
    %add3A_55 = arith.addf %add3A_44, %dot_general3A_54 : vector<2048x768xf32>
    %get3A_56 = arith.constant 5 : index
    %get3A_57 = arith.constant 0 : index
    %get3A_58 = arith.constant 0 : index
    %get3A_59 = vector.load %arg0[%get3A_56, %get3A_57, %get3A_58] : memref<12x2048x64xf32, #tpu.memory_space<vmem>>, vector<1x2048x64xf32>
    %get3A_60 = vector.shape_cast %get3A_59 : vector<1x2048x64xf32> to vector<2048x64xf32>
    %get3A_61 = arith.constant 0 : index
    %get3A_62 = arith.constant 320 : index
    %get3A_63 = vector.load %arg1[%get3A_61, %get3A_62] : memref<768x768xf32, #tpu.memory_space<vmem>>, vector<768x64xf32>
    %dot_general3A_64 = arith.constant dense<0.000000e+00> : vector<2048x768xf32>
    %dot_general3A_65 = tpu.matmul %get3A_60, %get3A_63, %dot_general3A_64 {dimension_numbers = #tpu.dot_dimension_numbers<[1], [1], [0], [0], [0, 0, 1, 0], [], []>, transpose_lhs_hint = false} : vector<2048x64xf32>, vector<768x64xf32>, vector<2048x768xf32> -> vector<2048x768xf32>
    %add3A_66 = arith.addf %add3A_55, %dot_general3A_65 : vector<2048x768xf32>
    %get3A_67 = arith.constant 6 : index
    %get3A_68 = arith.constant 0 : index
    %get3A_69 = arith.constant 0 : index
    %get3A_70 = vector.load %arg0[%get3A_67, %get3A_68, %get3A_69] : memref<12x2048x64xf32, #tpu.memory_space<vmem>>, vector<1x2048x64xf32>
    %get3A_71 = vector.shape_cast %get3A_70 : vector<1x2048x64xf32> to vector<2048x64xf32>
    %get3A_72 = arith.constant 0 : index
    %get3A_73 = arith.constant 384 : index
    %get3A_74 = vector.load %arg1[%get3A_72, %get3A_73] : memref<768x768xf32, #tpu.memory_space<vmem>>, vector<768x64xf32>
    %dot_general3A_75 = arith.constant dense<0.000000e+00> : vector<2048x768xf32>
    %dot_general3A_76 = tpu.matmul %get3A_71, %get3A_74, %dot_general3A_75 {dimension_numbers = #tpu.dot_dimension_numbers<[1], [1], [0], [0], [0, 0, 1, 0], [], []>, transpose_lhs_hint = false} : vector<2048x64xf32>, vector<768x64xf32>, vector<2048x768xf32> -> vector<2048x768xf32>
    %add3A_77 = arith.addf %add3A_66, %dot_general3A_76 : vector<2048x768xf32>
    %get3A_78 = arith.constant 7 : index
    %get3A_79 = arith.constant 0 : index
    %get3A_80 = arith.constant 0 : index
    %get3A_81 = vector.load %arg0[%get3A_78, %get3A_79, %get3A_80] : memref<12x2048x64xf32, #tpu.memory_space<vmem>>, vector<1x2048x64xf32>
    %get3A_82 = vector.shape_cast %get3A_81 : vector<1x2048x64xf32> to vector<2048x64xf32>
    %get3A_83 = arith.constant 0 : index
    %get3A_84 = arith.constant 448 : index
    %get3A_85 = vector.load %arg1[%get3A_83, %get3A_84] : memref<768x768xf32, #tpu.memory_space<vmem>>, vector<768x64xf32>
    %dot_general3A_86 = arith.constant dense<0.000000e+00> : vector<2048x768xf32>
    %dot_general3A_87 = tpu.matmul %get3A_82, %get3A_85, %dot_general3A_86 {dimension_numbers = #tpu.dot_dimension_numbers<[1], [1], [0], [0], [0, 0, 1, 0], [], []>, transpose_lhs_hint = false} : vector<2048x64xf32>, vector<768x64xf32>, vector<2048x768xf32> -> vector<2048x768xf32>
    %add3A_88 = arith.addf %add3A_77, %dot_general3A_87 : vector<2048x768xf32>
    %get3A_89 = arith.constant 8 : index
    %get3A_90 = arith.constant 0 : index
    %get3A_91 = arith.constant 0 : index
    %get3A_92 = vector.load %arg0[%get3A_89, %get3A_90, %get3A_91] : memref<12x2048x64xf32, #tpu.memory_space<vmem>>, vector<1x2048x64xf32>
    %get3A_93 = vector.shape_cast %get3A_92 : vector<1x2048x64xf32> to vector<2048x64xf32>
    %get3A_94 = arith.constant 0 : index
    %get3A_95 = arith.constant 512 : index
    %get3A_96 = vector.load %arg1[%get3A_94, %get3A_95] : memref<768x768xf32, #tpu.memory_space<vmem>>, vector<768x64xf32>
    %dot_general3A_97 = arith.constant dense<0.000000e+00> : vector<2048x768xf32>
    %dot_general3A_98 = tpu.matmul %get3A_93, %get3A_96, %dot_general3A_97 {dimension_numbers = #tpu.dot_dimension_numbers<[1], [1], [0], [0], [0, 0, 1, 0], [], []>, transpose_lhs_hint = false} : vector<2048x64xf32>, vector<768x64xf32>, vector<2048x768xf32> -> vector<2048x768xf32>
    %add3A_99 = arith.addf %add3A_88, %dot_general3A_98 : vector<2048x768xf32>
    %get3A_100 = arith.constant 9 : index
    %get3A_101 = arith.constant 0 : index
    %get3A_102 = arith.constant 0 : index
    %get3A_103 = vector.load %arg0[%get3A_100, %get3A_101, %get3A_102] : memref<12x2048x64xf32, #tpu.memory_space<vmem>>, vector<1x2048x64xf32>
    %get3A_104 = vector.shape_cast %get3A_103 : vector<1x2048x64xf32> to vector<2048x64xf32>
    %get3A_105 = arith.constant 0 : index
    %get3A_106 = arith.constant 576 : index
    %get3A_107 = vector.load %arg1[%get3A_105, %get3A_106] : memref<768x768xf32, #tpu.memory_space<vmem>>, vector<768x64xf32>
    %dot_general3A_108 = arith.constant dense<0.000000e+00> : vector<2048x768xf32>
    %dot_general3A_109 = tpu.matmul %get3A_104, %get3A_107, %dot_general3A_108 {dimension_numbers = #tpu.dot_dimension_numbers<[1], [1], [0], [0], [0, 0, 1, 0], [], []>, transpose_lhs_hint = false} : vector<2048x64xf32>, vector<768x64xf32>, vector<2048x768xf32> -> vector<2048x768xf32>
    %add3A_110 = arith.addf %add3A_99, %dot_general3A_109 : vector<2048x768xf32>
    %get3A_111 = arith.constant 10 : index
    %get3A_112 = arith.constant 0 : index
    %get3A_113 = arith.constant 0 : index
    %get3A_114 = vector.load %arg0[%get3A_111, %get3A_112, %get3A_113] : memref<12x2048x64xf32, #tpu.memory_space<vmem>>, vector<1x2048x64xf32>
    %get3A_115 = vector.shape_cast %get3A_114 : vector<1x2048x64xf32> to vector<2048x64xf32>
    %get3A_116 = arith.constant 0 : index
    %get3A_117 = arith.constant 640 : index
    %get3A_118 = vector.load %arg1[%get3A_116, %get3A_117] : memref<768x768xf32, #tpu.memory_space<vmem>>, vector<768x64xf32>
    %dot_general3A_119 = arith.constant dense<0.000000e+00> : vector<2048x768xf32>
    %dot_general3A_120 = tpu.matmul %get3A_115, %get3A_118, %dot_general3A_119 {dimension_numbers = #tpu.dot_dimension_numbers<[1], [1], [0], [0], [0, 0, 1, 0], [], []>, transpose_lhs_hint = false} : vector<2048x64xf32>, vector<768x64xf32>, vector<2048x768xf32> -> vector<2048x768xf32>
    %add3A_121 = arith.addf %add3A_110, %dot_general3A_120 : vector<2048x768xf32>
    %get3A_122 = arith.constant 11 : index
    %get3A_123 = arith.constant 0 : index
    %get3A_124 = arith.constant 0 : index
    %get3A_125 = vector.load %arg0[%get3A_122, %get3A_123, %get3A_124] : memref<12x2048x64xf32, #tpu.memory_space<vmem>>, vector<1x2048x64xf32>
    %get3A_126 = vector.shape_cast %get3A_125 : vector<1x2048x64xf32> to vector<2048x64xf32>
    %get3A_127 = arith.constant 0 : index
    %get3A_128 = arith.constant 704 : index
    %get3A_129 = vector.load %arg1[%get3A_127, %get3A_128] : memref<768x768xf32, #tpu.memory_space<vmem>>, vector<768x64xf32>
    %dot_general3A_130 = arith.constant dense<0.000000e+00> : vector<2048x768xf32>
    %dot_general3A_131 = tpu.matmul %get3A_126, %get3A_129, %dot_general3A_130 {dimension_numbers = #tpu.dot_dimension_numbers<[1], [1], [0], [0], [0, 0, 1, 0], [], []>, transpose_lhs_hint = false} : vector<2048x64xf32>, vector<768x64xf32>, vector<2048x768xf32> -> vector<2048x768xf32>
    %add3A_132 = arith.addf %add3A_121, %dot_general3A_131 : vector<2048x768xf32>
    %get3A_133 = arith.constant 0 : index
    %get3A_134 = arith.constant 0 : index
    %get3A_135 = vector.load %arg3[%get3A_133, %get3A_134] : memref<2048x768xf32, #tpu.memory_space<vmem>>, vector<2048x768xf32>
    %add3A_136 = arith.addf %get3A_135, %add3A_132 : vector<2048x768xf32>
    %reduce_sum3A = arith.constant dense<0.000000e+00> : vector<2048xf32>
    %reduce_sum3A_137 = vector.multi_reduction <add>, %add3A_136, %reduce_sum3A [1] : vector<2048x768xf32> to vector<2048xf32>
    %broadcast_in_dim3A = vector.shape_cast %reduce_sum3A_137 : vector<2048xf32> to vector<2048x1xf32>
    %div3A = arith.constant 7.680000e+02 : f32
    %div3A_138 = vector.broadcast %div3A : f32 to vector<2048x1xf32>
    %div3A_139 = arith.divf %broadcast_in_dim3A, %div3A_138 : vector<2048x1xf32>
    %sub3A = vector.broadcast %div3A_139 : vector<2048x1xf32> to vector<2048x768xf32>
    %sub3A_140 = arith.subf %add3A_136, %sub3A : vector<2048x768xf32>
    %mul3A = arith.mulf %sub3A_140, %sub3A_140 : vector<2048x768xf32>
    %reduce_sum3A_141 = arith.constant dense<0.000000e+00> : vector<2048xf32>
    %reduce_sum3A_142 = vector.multi_reduction <add>, %mul3A, %reduce_sum3A_141 [1] : vector<2048x768xf32> to vector<2048xf32>
    %broadcast_in_dim3A_143 = vector.shape_cast %reduce_sum3A_142 : vector<2048xf32> to vector<2048x1xf32>
    %div3A_144 = arith.constant 7.680000e+02 : f32
    %div3A_145 = vector.broadcast %div3A_144 : f32 to vector<2048x1xf32>
    %div3A_146 = arith.divf %broadcast_in_dim3A_143, %div3A_145 : vector<2048x1xf32>
    %add3A_147 = arith.constant 9.99999974E-6 : f32
    %add3A_148 = vector.broadcast %add3A_147 : f32 to vector<2048x1xf32>
    %add3A_149 = arith.addf %div3A_146, %add3A_148 : vector<2048x1xf32>
    %rsqrt3A = math.rsqrt %add3A_149 : vector<2048x1xf32>
    %mul3A_150 = vector.broadcast %rsqrt3A : vector<2048x1xf32> to vector<2048x768xf32>
    %mul3A_151 = arith.mulf %sub3A_140, %mul3A_150 : vector<2048x768xf32>
    %get3A_152 = arith.constant 0 : index
    %get3A_153 = arith.constant 0 : index
    %get3A_154 = vector.load %arg4[%get3A_152, %get3A_153] : memref<1x768xf32, #tpu.memory_space<vmem>>, vector<1x768xf32>
    %mul3A_155 = vector.broadcast %get3A_154 : vector<1x768xf32> to vector<2048x768xf32>
    %mul3A_156 = arith.mulf %mul3A_151, %mul3A_155 : vector<2048x768xf32>
    %get3A_157 = arith.constant 0 : index
    %get3A_158 = arith.constant 0 : index
    %get3A_159 = vector.load %arg5[%get3A_157, %get3A_158] : memref<1x768xf32, #tpu.memory_space<vmem>>, vector<1x768xf32>
    %add3A_160 = vector.broadcast %get3A_159 : vector<1x768xf32> to vector<2048x768xf32>
    %add3A_161 = arith.addf %mul3A_156, %add3A_160 : vector<2048x768xf32>
    %swap3A = arith.constant 0 : index
    %swap3A_162 = arith.constant 0 : index
    %swap3A_163 = vector.load %arg8[%swap3A, %swap3A_162] : memref<2048x768xf32, #tpu.memory_space<vmem>>, vector<2048x768xf32>
    tpu.vector_store %arg8[%swap3A, %swap3A_162], %add3A_161 {strides = array<i32>} : memref<2048x768xf32, #tpu.memory_space<vmem>>, vector<2048x768xf32>,
    %get3A_164 = arith.constant 0 : index
    %get3A_165 = arith.constant 0 : index
    %get3A_166 = vector.load %arg6[%get3A_164, %get3A_165] : memref<8x768xf32, #tpu.memory_space<vmem>>, vector<8x768xf32>
    %dot_general3A_167 = arith.constant dense<0.000000e+00> : vector<2048x8xf32>
    %dot_general3A_168 = tpu.matmul %add3A_161, %get3A_166, %dot_general3A_167 {dimension_numbers = #tpu.dot_dimension_numbers<[1], [1], [0], [0], [0, 0, 1, 0], [], []>, transpose_lhs_hint = false} : vector<2048x768xf32>, vector<8x768xf32>, vector<2048x8xf32> -> vector<2048x8xf32>
    %get3A_169 = arith.constant 0 : index
    %get3A_170 = arith.constant 0 : index
    %get3A_171 = vector.load %arg7[%get3A_169, %get3A_170] : memref<1x8xf32, #tpu.memory_space<vmem>>, vector<1x8xf32>
    %add3A_172 = vector.broadcast %get3A_171 : vector<1x8xf32> to vector<2048x8xf32>
    %add3A_173 = arith.addf %dot_general3A_168, %add3A_172 : vector<2048x8xf32>
    %reduce_max3A = arith.constant dense<0xFF800000> : vector<2048xf32>
    %reduce_max3A_174 = vector.multi_reduction <maximumf>, %add3A_173, %reduce_max3A [1] : vector<2048x8xf32> to vector<2048xf32>
    %broadcast_in_dim3A_175 = vector.shape_cast %reduce_max3A_174 : vector<2048xf32> to vector<2048x1xf32>
    %sub3A_176 = vector.broadcast %broadcast_in_dim3A_175 : vector<2048x1xf32> to vector<2048x8xf32>
    %sub3A_177 = arith.subf %add3A_173, %sub3A_176 : vector<2048x8xf32>
    %exp3A = math.exp %sub3A_177 : vector<2048x8xf32>
    %reduce_sum3A_178 = arith.constant dense<0.000000e+00> : vector<2048xf32>
    %reduce_sum3A_179 = vector.multi_reduction <add>, %exp3A, %reduce_sum3A_178 [1] : vector<2048x8xf32> to vector<2048xf32>
    %broadcast_in_dim3A_180 = vector.shape_cast %reduce_sum3A_179 : vector<2048xf32> to vector<2048x1xf32>
    %div3A_181 = vector.broadcast %broadcast_in_dim3A_180 : vector<2048x1xf32> to vector<2048x8xf32>
    %div3A_182 = arith.divf %exp3A, %div3A_181 : vector<2048x8xf32>
    %iota3A = tpu.iota {dimensions = array<i32: 1>} : vector<2048x8xi32>
    %reduce_max3A_183 = arith.constant dense<0xFF800000> : vector<2048xf32>
    %reduce_max3A_184 = vector.multi_reduction <maximumf>, %div3A_182, %reduce_max3A_183 [1] : vector<2048x8xf32> to vector<2048xf32>
    %broadcast_in_dim3A_185 = vector.shape_cast %reduce_max3A_184 : vector<2048xf32> to vector<2048x1xf32>
    %eq3A = vector.broadcast %broadcast_in_dim3A_185 : vector<2048x1xf32> to vector<2048x8xf32>
    %eq3A_186 = arith.cmpf oeq, %div3A_182, %eq3A : vector<2048x8xf32>
    %jit3A = arith.constant 8 : i32
    %broadcast_in_dim3A_187 = vector.broadcast %jit3A : i32 to vector<2048x8xi32>
    %select_n3A = arith.select %eq3A_186, %iota3A, %broadcast_in_dim3A_187 : vector<2048x8xi1>, vector<2048x8xi32>
    %reduce_min3A = arith.constant dense<2147483647> : vector<2048xi32>
    %reduce_min3A_188 = vector.multi_reduction <minsi>, %select_n3A, %reduce_min3A [1] : vector<2048x8xi32> to vector<2048xi32>
    %broadcast_in_dim3A_189 = vector.shape_cast %reduce_min3A_188 : vector<2048xi32> to vector<2048x1xi32>
    %eq3A_190 = vector.broadcast %broadcast_in_dim3A_189 : vector<2048x1xi32> to vector<2048x8xi32>
    %eq3A_191 = arith.cmpi eq, %iota3A, %eq3A_190 : vector<2048x8xi32>
    %jit3A_192 = arith.constant 0xFF800000 : f32
    %broadcast_in_dim3A_193 = vector.broadcast %jit3A_192 : f32 to vector<2048x8xf32>
    %select_n3A_194 = arith.select %eq3A_191, %broadcast_in_dim3A_193, %div3A_182 : vector<2048x8xi1>, vector<2048x8xf32>
    %reduce_max3A_195 = arith.constant dense<0xFF800000> : vector<2048xf32>
    %reduce_max3A_196 = vector.multi_reduction <maximumf>, %select_n3A_194, %reduce_max3A_195 [1] : vector<2048x8xf32> to vector<2048xf32>
    %broadcast_in_dim3A_197 = vector.shape_cast %reduce_max3A_196 : vector<2048xf32> to vector<2048x1xf32>
    %eq3A_198 = vector.broadcast %broadcast_in_dim3A_197 : vector<2048x1xf32> to vector<2048x8xf32>
    %eq3A_199 = arith.cmpf oeq, %select_n3A_194, %eq3A_198 : vector<2048x8xf32>
    %jit3A_200 = arith.constant 8 : i32
    %broadcast_in_dim3A_201 = vector.broadcast %jit3A_200 : i32 to vector<2048x8xi32>
    %select_n3A_202 = arith.select %eq3A_199, %iota3A, %broadcast_in_dim3A_201 : vector<2048x8xi1>, vector<2048x8xi32>
    %reduce_min3A_203 = arith.constant dense<2147483647> : vector<2048xi32>
    %reduce_min3A_204 = vector.multi_reduction <minsi>, %select_n3A_202, %reduce_min3A_203 [1] : vector<2048x8xi32> to vector<2048xi32>
    %broadcast_in_dim3A_205 = vector.shape_cast %reduce_min3A_204 : vector<2048xi32> to vector<2048x1xi32>
    %eq3A_206 = vector.broadcast %broadcast_in_dim3A_205 : vector<2048x1xi32> to vector<2048x8xi32>
    %eq3A_207 = arith.cmpi eq, %iota3A, %eq3A_206 : vector<2048x8xi32>
    %concatenate3A = tpu.concatenate %broadcast_in_dim3A_185, %broadcast_in_dim3A_197 in 1 : vector<2048x1xf32>, vector<2048x1xf32> -> vector<2048x2xf32>
    %swap3A_208 = arith.constant 0 : index
    %swap3A_209 = arith.constant 0 : index
    %swap3A_210 = vector.load %arg9[%swap3A_208, %swap3A_209] : memref<2048x2xf32, #tpu.memory_space<vmem>>, vector<2048x2xf32>
    tpu.vector_store %arg9[%swap3A_208, %swap3A_209], %concatenate3A {strides = array<i32>} : memref<2048x2xf32, #tpu.memory_space<vmem>>, vector<2048x2xf32>,
    %convert_element_type3A = arith.extui %eq3A_191 : vector<2048x8xi1> to vector<2048x8xi32>
    %convert_element_type3A_211 = arith.sitofp %convert_element_type3A : vector<2048x8xi32> to vector<2048x8xf32>
    %convert_element_type3A_212 = arith.extui %eq3A_207 : vector<2048x8xi1> to vector<2048x8xi32>
    %convert_element_type3A_213 = arith.sitofp %convert_element_type3A_212 : vector<2048x8xi32> to vector<2048x8xf32>
    %concatenate3A_214 = tpu.concatenate %convert_element_type3A_211, %convert_element_type3A_213 in 0 : vector<2048x8xf32>, vector<2048x8xf32> -> vector<4096x8xf32>
    %broadcast_in_dim3A_215 = arith.constant 0.000000e+00 : f32
    %broadcast_in_dim3A_216 = vector.broadcast %broadcast_in_dim3A_215 : f32 to vector<1x8xf32>
    %slice3A = vector.extract_strided_slice %concatenate3A_214 {offsets = [0, 0], sizes = [4095, 8], strides = [1, 1]} : vector<4096x8xf32> to vector<4095x8xf32>
    %concatenate3A_217 = tpu.concatenate %broadcast_in_dim3A_216, %slice3A in 0 : vector<1x8xf32>, vector<4095x8xf32> -> vector<4096x8xf32>
    %add3A_218 = arith.addf %concatenate3A_214, %concatenate3A_217 : vector<4096x8xf32>
    %broadcast_in_dim3A_219 = arith.constant 0.000000e+00 : f32
    %broadcast_in_dim3A_220 = vector.broadcast %broadcast_in_dim3A_219 : f32 to vector<2x8xf32>
    %slice3A_221 = vector.extract_strided_slice %add3A_218 {offsets = [0, 0], sizes = [4094, 8], strides = [1, 1]} : vector<4096x8xf32> to vector<4094x8xf32>
    %concatenate3A_222 = tpu.concatenate %broadcast_in_dim3A_220, %slice3A_221 in 0 : vector<2x8xf32>, vector<4094x8xf32> -> vector<4096x8xf32>
    %add3A_223 = arith.addf %add3A_218, %concatenate3A_222 : vector<4096x8xf32>
    %broadcast_in_dim3A_224 = arith.constant 0.000000e+00 : f32
    %broadcast_in_dim3A_225 = vector.broadcast %broadcast_in_dim3A_224 : f32 to vector<4x8xf32>
    %slice3A_226 = vector.extract_strided_slice %add3A_223 {offsets = [0, 0], sizes = [4092, 8], strides = [1, 1]} : vector<4096x8xf32> to vector<4092x8xf32>
    %concatenate3A_227 = tpu.concatenate %broadcast_in_dim3A_225, %slice3A_226 in 0 : vector<4x8xf32>, vector<4092x8xf32> -> vector<4096x8xf32>
    %add3A_228 = arith.addf %add3A_223, %concatenate3A_227 : vector<4096x8xf32>
    %broadcast_in_dim3A_229 = arith.constant 0.000000e+00 : f32
    %broadcast_in_dim3A_230 = vector.broadcast %broadcast_in_dim3A_229 : f32 to vector<8x8xf32>
    %slice3A_231 = vector.extract_strided_slice %add3A_228 {offsets = [0, 0], sizes = [4088, 8], strides = [1, 1]} : vector<4096x8xf32> to vector<4088x8xf32>
    %concatenate3A_232 = tpu.concatenate %broadcast_in_dim3A_230, %slice3A_231 in 0 : vector<8x8xf32>, vector<4088x8xf32> -> vector<4096x8xf32>
    %add3A_233 = arith.addf %add3A_228, %concatenate3A_232 : vector<4096x8xf32>
    %broadcast_in_dim3A_234 = arith.constant 0.000000e+00 : f32
    %broadcast_in_dim3A_235 = vector.broadcast %broadcast_in_dim3A_234 : f32 to vector<16x8xf32>
    %slice3A_236 = vector.extract_strided_slice %add3A_233 {offsets = [0, 0], sizes = [4080, 8], strides = [1, 1]} : vector<4096x8xf32> to vector<4080x8xf32>
    %concatenate3A_237 = tpu.concatenate %broadcast_in_dim3A_235, %slice3A_236 in 0 : vector<16x8xf32>, vector<4080x8xf32> -> vector<4096x8xf32>
    %add3A_238 = arith.addf %add3A_233, %concatenate3A_237 : vector<4096x8xf32>
    %broadcast_in_dim3A_239 = arith.constant 0.000000e+00 : f32
    %broadcast_in_dim3A_240 = vector.broadcast %broadcast_in_dim3A_239 : f32 to vector<32x8xf32>
    %slice3A_241 = vector.extract_strided_slice %add3A_238 {offsets = [0, 0], sizes = [4064, 8], strides = [1, 1]} : vector<4096x8xf32> to vector<4064x8xf32>
    %concatenate3A_242 = tpu.concatenate %broadcast_in_dim3A_240, %slice3A_241 in 0 : vector<32x8xf32>, vector<4064x8xf32> -> vector<4096x8xf32>
    %add3A_243 = arith.addf %add3A_238, %concatenate3A_242 : vector<4096x8xf32>
    %broadcast_in_dim3A_244 = arith.constant 0.000000e+00 : f32
    %broadcast_in_dim3A_245 = vector.broadcast %broadcast_in_dim3A_244 : f32 to vector<64x8xf32>
    %slice3A_246 = vector.extract_strided_slice %add3A_243 {offsets = [0, 0], sizes = [4032, 8], strides = [1, 1]} : vector<4096x8xf32> to vector<4032x8xf32>
    %concatenate3A_247 = tpu.concatenate %broadcast_in_dim3A_245, %slice3A_246 in 0 : vector<64x8xf32>, vector<4032x8xf32> -> vector<4096x8xf32>
    %add3A_248 = arith.addf %add3A_243, %concatenate3A_247 : vector<4096x8xf32>
    %broadcast_in_dim3A_249 = arith.constant 0.000000e+00 : f32
    %broadcast_in_dim3A_250 = vector.broadcast %broadcast_in_dim3A_249 : f32 to vector<128x8xf32>
    %slice3A_251 = vector.extract_strided_slice %add3A_248 {offsets = [0, 0], sizes = [3968, 8], strides = [1, 1]} : vector<4096x8xf32> to vector<3968x8xf32>
    %concatenate3A_252 = tpu.concatenate %broadcast_in_dim3A_250, %slice3A_251 in 0 : vector<128x8xf32>, vector<3968x8xf32> -> vector<4096x8xf32>
    %add3A_253 = arith.addf %add3A_248, %concatenate3A_252 : vector<4096x8xf32>
    %broadcast_in_dim3A_254 = arith.constant 0.000000e+00 : f32
    %broadcast_in_dim3A_255 = vector.broadcast %broadcast_in_dim3A_254 : f32 to vector<256x8xf32>
    %slice3A_256 = vector.extract_strided_slice %add3A_253 {offsets = [0, 0], sizes = [3840, 8], strides = [1, 1]} : vector<4096x8xf32> to vector<3840x8xf32>
    %concatenate3A_257 = tpu.concatenate %broadcast_in_dim3A_255, %slice3A_256 in 0 : vector<256x8xf32>, vector<3840x8xf32> -> vector<4096x8xf32>
    %add3A_258 = arith.addf %add3A_253, %concatenate3A_257 : vector<4096x8xf32>
    %broadcast_in_dim3A_259 = arith.constant 0.000000e+00 : f32
    %broadcast_in_dim3A_260 = vector.broadcast %broadcast_in_dim3A_259 : f32 to vector<512x8xf32>
    %slice3A_261 = vector.extract_strided_slice %add3A_258 {offsets = [0, 0], sizes = [3584, 8], strides = [1, 1]} : vector<4096x8xf32> to vector<3584x8xf32>
    %concatenate3A_262 = tpu.concatenate %broadcast_in_dim3A_260, %slice3A_261 in 0 : vector<512x8xf32>, vector<3584x8xf32> -> vector<4096x8xf32>
    %add3A_263 = arith.addf %add3A_258, %concatenate3A_262 : vector<4096x8xf32>
    %broadcast_in_dim3A_264 = arith.constant 0.000000e+00 : f32
    %broadcast_in_dim3A_265 = vector.broadcast %broadcast_in_dim3A_264 : f32 to vector<1024x8xf32>
    %slice3A_266 = vector.extract_strided_slice %add3A_263 {offsets = [0, 0], sizes = [3072, 8], strides = [1, 1]} : vector<4096x8xf32> to vector<3072x8xf32>
    %concatenate3A_267 = tpu.concatenate %broadcast_in_dim3A_265, %slice3A_266 in 0 : vector<1024x8xf32>, vector<3072x8xf32> -> vector<4096x8xf32>
    %add3A_268 = arith.addf %add3A_263, %concatenate3A_267 : vector<4096x8xf32>
    %broadcast_in_dim3A_269 = arith.constant 0.000000e+00 : f32
    %broadcast_in_dim3A_270 = vector.broadcast %broadcast_in_dim3A_269 : f32 to vector<2048x8xf32>
    %slice3A_271 = vector.extract_strided_slice %add3A_268 {offsets = [0, 0], sizes = [2048, 8], strides = [1, 1]} : vector<4096x8xf32> to vector<2048x8xf32>
    %concatenate3A_272 = tpu.concatenate %broadcast_in_dim3A_270, %slice3A_271 in 0 : vector<2048x8xf32>, vector<2048x8xf32> -> vector<4096x8xf32>
    %add3A_273 = arith.addf %add3A_268, %concatenate3A_272 : vector<4096x8xf32>
    %slice3A_274 = vector.extract_strided_slice %add3A_273 {offsets = [4095, 0], sizes = [1, 8], strides = [1, 1]} : vector<4096x8xf32> to vector<1x8xf32>
    %add3A_275 = arith.constant 2.550000e+02 : f32
    %add3A_276 = vector.broadcast %add3A_275 : f32 to vector<1x8xf32>
    %add3A_277 = arith.addf %slice3A_274, %add3A_276 : vector<1x8xf32>
    %mul3A_278 = arith.constant 3.906250e-03 : f32
    %mul3A_279 = vector.broadcast %mul3A_278 : f32 to vector<1x8xf32>
    %mul3A_280 = arith.mulf %add3A_277, %mul3A_279 : vector<1x8xf32>
    %floor3A = math.floor %mul3A_280 : vector<1x8xf32>
    %max3A = arith.constant 1.000000e+00 : f32
    %max3A_281 = vector.broadcast %max3A : f32 to vector<1x8xf32>
    %max3A_282 = arith.maximumf %floor3A, %max3A_281 : vector<1x8xf32>
    %iota3A_283 = tpu.iota {dimensions = array<i32: 0>} : vector<8x8xi32>
    %iota3A_284 = tpu.iota {dimensions = array<i32: 1>} : vector<8x8xi32>
    %lt3A = arith.cmpi slt, %iota3A_283, %iota3A_284 : vector<8x8xi32>
    %convert_element_type3A_285 = arith.extui %lt3A : vector<8x8xi1> to vector<8x8xi32>
    %convert_element_type3A_286 = arith.sitofp %convert_element_type3A_285 : vector<8x8xi32> to vector<8x8xf32>
    %dot_general3A_287 = arith.constant dense<0.000000e+00> : vector<1x8xf32>
    %dot_general3A_288 = tpu.matmul %max3A_282, %convert_element_type3A_286, %dot_general3A_287 {dimension_numbers = #tpu.dot_dimension_numbers<[1], [0], [0], [1], [0, 0, 1, 1], [], []>, transpose_lhs_hint = false} : vector<1x8xf32>, vector<8x8xf32>, vector<1x8xf32> -> vector<1x8xf32>
    %mul3A_289 = arith.constant 2.560000e+02 : f32
    %mul3A_290 = vector.broadcast %mul3A_289 : f32 to vector<1x8xf32>
    %mul3A_291 = arith.mulf %mul3A_290, %dot_general3A_288 : vector<1x8xf32>
    %add3A_292 = vector.broadcast %mul3A_291 : vector<1x8xf32> to vector<4096x8xf32>
    %add3A_293 = arith.addf %add3A_292, %add3A_273 : vector<4096x8xf32>
    %sub3A_294 = arith.constant 1.000000e+00 : f32
    %sub3A_295 = vector.broadcast %sub3A_294 : f32 to vector<4096x8xf32>
    %sub3A_296 = arith.subf %add3A_293, %sub3A_295 : vector<4096x8xf32>
    %mul3A_297 = arith.mulf %concatenate3A_214, %sub3A_296 : vector<4096x8xf32>
    %reduce_sum3A_298 = arith.constant dense<0.000000e+00> : vector<4096xf32>
    %reduce_sum3A_299 = vector.multi_reduction <add>, %mul3A_297, %reduce_sum3A_298 [1] : vector<4096x8xf32> to vector<4096xf32>
    %broadcast_in_dim3A_300 = vector.shape_cast %reduce_sum3A_299 : vector<4096xf32> to vector<4096x1xf32>
    %convert_element_type3A_301 = arith.fptosi %broadcast_in_dim3A_300 : vector<4096x1xf32> to vector<4096x1xi32>
    %swap3A_302 = arith.constant 0 : index
    %swap3A_303 = arith.constant 0 : index
    %swap3A_304 = vector.load %arg10[%swap3A_302, %swap3A_303] : memref<4096x1xi32, #tpu.memory_space<vmem>>, vector<4096x1xi32>
    tpu.vector_store %arg10[%swap3A_302, %swap3A_303], %convert_element_type3A_301 {strides = array<i32>} : memref<4096x1xi32, #tpu.memory_space<vmem>>, vector<4096x1xi32>,
    %add3A_305 = arith.addf %dot_general3A_288, %max3A_282 : vector<1x8xf32>
    %iota3A_306 = tpu.iota {dimensions = array<i32: 0>} : vector<24x8xi32>
    %convert_element_type3A_307 = arith.sitofp %iota3A_306 : vector<24x8xi32> to vector<24x8xf32>
    %ge3A = vector.broadcast %add3A_305 : vector<1x8xf32> to vector<24x8xf32>
    %ge3A_308 = arith.cmpf oge, %convert_element_type3A_307, %ge3A : vector<24x8xf32>
    %convert_element_type3A_309 = arith.extui %ge3A_308 : vector<24x8xi1> to vector<24x8xi32>
    %convert_element_type3A_310 = arith.sitofp %convert_element_type3A_309 : vector<24x8xi32> to vector<24x8xf32>
    %reduce_sum3A_311 = arith.constant dense<0.000000e+00> : vector<24xf32>
    %reduce_sum3A_312 = vector.multi_reduction <add>, %convert_element_type3A_310, %reduce_sum3A_311 [1] : vector<24x8xf32> to vector<24xf32>
    %broadcast_in_dim3A_313 = vector.shape_cast %reduce_sum3A_312 : vector<24xf32> to vector<24x1xf32>
    %min3A = arith.constant 7.000000e+00 : f32
    %min3A_314 = vector.broadcast %min3A : f32 to vector<24x1xf32>
    %min3A_315 = arith.minimumf %broadcast_in_dim3A_313, %min3A_314 : vector<24x1xf32>
    %convert_element_type3A_316 = arith.fptosi %min3A_315 : vector<24x1xf32> to vector<24x1xi32>
    %swap3A_317 = arith.constant 0 : index
    %swap3A_318 = arith.constant 0 : index
    %swap3A_319 = vector.load %arg11[%swap3A_317, %swap3A_318] : memref<24x1xi32, #tpu.memory_space<vmem>>, vector<24x1xi32>
    tpu.vector_store %arg11[%swap3A_317, %swap3A_318], %convert_element_type3A_316 {strides = array<i32>} : memref<24x1xi32, #tpu.memory_space<vmem>>, vector<24x1xi32>,
    %reduce_sum3A_320 = arith.constant dense<0.000000e+00> : vector<1xf32>
    %reduce_sum3A_321 = vector.multi_reduction <add>, %max3A_282, %reduce_sum3A_320 [1] : vector<1x8xf32> to vector<1xf32>
    %broadcast_in_dim3A_322 = vector.shape_cast %reduce_sum3A_321 : vector<1xf32> to vector<1x1xf32>
    %convert_element_type3A_323 = arith.fptosi %broadcast_in_dim3A_322 : vector<1x1xf32> to vector<1x1xi32>
    %swap3A_324 = arith.constant 0 : index
    %swap3A_325 = arith.constant 0 : index
    %swap3A_326 = vector.load %arg12[%swap3A_324, %swap3A_325] : memref<1x1xi32, #tpu.memory_space<vmem>>, vector<1x1xi32>
    tpu.vector_store %arg12[%swap3A_324, %swap3A_325], %convert_element_type3A_323 {strides = array<i32>} : memref<1x1xi32, #tpu.memory_space<vmem>>, vector<1x1xi32>,
    return
  }
}

module attributes {stable_mosaic.version = 14 : i64} {
  func.func @_qkv_kernel(%arg0: memref<2048x768xf32, #tpu.memory_space<vmem>>, %arg1: memref<2304x768xf32, #tpu.memory_space<vmem>>, %arg2: memref<1x2304xf32, #tpu.memory_space<vmem>>, %arg3: memref<2048x2304xf32, #tpu.memory_space<vmem>>) attributes {dimension_semantics = [], scalar_prefetch = 0 : i64, scratch_operands = 0 : i64, tpu.core_type = #tpu.core_type<tc>} {
    %get3A = arith.constant 0 : index
    %get3A_0 = arith.constant 0 : index
    %get3A_1 = vector.load %arg0[%get3A, %get3A_0] : memref<2048x768xf32, #tpu.memory_space<vmem>>, vector<2048x768xf32>
    %get3A_2 = arith.constant 0 : index
    %get3A_3 = arith.constant 0 : index
    %get3A_4 = vector.load %arg1[%get3A_2, %get3A_3] : memref<2304x768xf32, #tpu.memory_space<vmem>>, vector<2304x768xf32>
    %dot_general3A = arith.constant dense<0.000000e+00> : vector<2048x2304xf32>
    %dot_general3A_5 = tpu.matmul %get3A_1, %get3A_4, %dot_general3A {dimension_numbers = #tpu.dot_dimension_numbers<[1], [1], [0], [0], [0, 0, 1, 0], [], []>, transpose_lhs_hint = false} : vector<2048x768xf32>, vector<2304x768xf32>, vector<2048x2304xf32> -> vector<2048x2304xf32>
    %get3A_6 = arith.constant 0 : index
    %get3A_7 = arith.constant 0 : index
    %get3A_8 = vector.load %arg2[%get3A_6, %get3A_7] : memref<1x2304xf32, #tpu.memory_space<vmem>>, vector<1x2304xf32>
    %add3A = vector.broadcast %get3A_8 : vector<1x2304xf32> to vector<2048x2304xf32>
    %add3A_9 = arith.addf %dot_general3A_5, %add3A : vector<2048x2304xf32>
    %swap3A = arith.constant 0 : index
    %swap3A_10 = arith.constant 0 : index
    %swap3A_11 = vector.load %arg3[%swap3A, %swap3A_10] : memref<2048x2304xf32, #tpu.memory_space<vmem>>, vector<2048x2304xf32>
    tpu.vector_store %arg3[%swap3A, %swap3A_10], %add3A_9 {strides = array<i32>} : memref<2048x2304xf32, #tpu.memory_space<vmem>>, vector<2048x2304xf32>,
    return
  }
}

module attributes {stable_mosaic.version = 14 : i64} {
  func.func @_attn_kernel(%arg0: i32, %arg1: memref<2048x128xf32, #tpu.memory_space<vmem>>, %arg2: memref<2048x128xf32, #tpu.memory_space<vmem>>, %arg3: memref<2048x128xf32, #tpu.memory_space<vmem>>, %arg4: memref<2x2048x64xf32, #tpu.memory_space<vmem>>) attributes {dimension_semantics = [#tpu.dimension_semantics<arbitrary>], iteration_bounds = array<i64: 6>, scalar_prefetch = 0 : i64, scratch_operands = 0 : i64, tpu.core_type = #tpu.core_type<tc>, window_params = [{transform_indices = @transform_0, window_bounds = array<i64: 2048, 128>}, {transform_indices = @transform_1, window_bounds = array<i64: 2048, 128>}, {transform_indices = @transform_2, window_bounds = array<i64: 2048, 128>}, {transform_indices = @transform_3, window_bounds = array<i64: 2, 2048, 64>}]} {
    %get3A = arith.constant 0 : index
    %get3A_0 = arith.constant 0 : index
    %get3A_1 = vector.load %arg1[%get3A, %get3A_0] : memref<2048x128xf32, #tpu.memory_space<vmem>>, vector<2048x64xf32>
    %get3A_2 = arith.constant 0 : index
    %get3A_3 = arith.constant 0 : index
    %get3A_4 = vector.load %arg2[%get3A_2, %get3A_3] : memref<2048x128xf32, #tpu.memory_space<vmem>>, vector<2048x64xf32>
    %get3A_5 = arith.constant 0 : index
    %get3A_6 = arith.constant 0 : index
    %get3A_7 = vector.load %arg3[%get3A_5, %get3A_6] : memref<2048x128xf32, #tpu.memory_space<vmem>>, vector<2048x64xf32>
    %slice3A = vector.extract_strided_slice %get3A_1 {offsets = [0, 0], sizes = [256, 64], strides = [1, 1]} : vector<2048x64xf32> to vector<256x64xf32>
    %dot_general3A = arith.constant dense<0.000000e+00> : vector<256x2048xf32>
    %dot_general3A_8 = tpu.matmul %slice3A, %get3A_4, %dot_general3A {dimension_numbers = #tpu.dot_dimension_numbers<[1], [1], [0], [0], [0, 0, 1, 0], [], []>, transpose_lhs_hint = false} : vector<256x64xf32>, vector<2048x64xf32>, vector<256x2048xf32> -> vector<256x2048xf32>
    %mul3A = arith.constant 1.250000e-01 : f32
    %mul3A_9 = vector.broadcast %mul3A : f32 to vector<256x2048xf32>
    %mul3A_10 = arith.mulf %dot_general3A_8, %mul3A_9 : vector<256x2048xf32>
    %reduce_max3A = arith.constant dense<0xFF800000> : vector<256xf32>
    %reduce_max3A_11 = vector.multi_reduction <maximumf>, %mul3A_10, %reduce_max3A [1] : vector<256x2048xf32> to vector<256xf32>
    %broadcast_in_dim3A = vector.shape_cast %reduce_max3A_11 : vector<256xf32> to vector<256x1xf32>
    %sub3A = vector.broadcast %broadcast_in_dim3A : vector<256x1xf32> to vector<256x2048xf32>
    %sub3A_12 = arith.subf %mul3A_10, %sub3A : vector<256x2048xf32>
    %exp3A = math.exp %sub3A_12 : vector<256x2048xf32>
    %reduce_sum3A = arith.constant dense<0.000000e+00> : vector<256xf32>
    %reduce_sum3A_13 = vector.multi_reduction <add>, %exp3A, %reduce_sum3A [1] : vector<256x2048xf32> to vector<256xf32>
    %broadcast_in_dim3A_14 = vector.shape_cast %reduce_sum3A_13 : vector<256xf32> to vector<256x1xf32>
    %dot_general3A_15 = arith.constant dense<0.000000e+00> : vector<256x64xf32>
    %dot_general3A_16 = tpu.matmul %exp3A, %get3A_7, %dot_general3A_15 {dimension_numbers = #tpu.dot_dimension_numbers<[1], [0], [0], [1], [0, 0, 1, 1], [], []>, transpose_lhs_hint = false} : vector<256x2048xf32>, vector<2048x64xf32>, vector<256x64xf32> -> vector<256x64xf32>
    %div3A = vector.broadcast %broadcast_in_dim3A_14 : vector<256x1xf32> to vector<256x64xf32>
    %div3A_17 = arith.divf %dot_general3A_16, %div3A : vector<256x64xf32>
    %swap3A = arith.constant 0 : index
    %swap3A_18 = arith.constant 0 : index
    %swap3A_19 = arith.constant 0 : index
    %swap3A_20 = vector.load %arg4[%swap3A, %swap3A_18, %swap3A_19] : memref<2x2048x64xf32, #tpu.memory_space<vmem>>, vector<1x256x64xf32>
    %swap3A_21 = vector.shape_cast %swap3A_20 : vector<1x256x64xf32> to vector<256x64xf32>
    %swap3A_22 = vector.shape_cast %div3A_17 : vector<256x64xf32> to vector<1x256x64xf32>
    tpu.vector_store %arg4[%swap3A, %swap3A_18, %swap3A_19], %swap3A_22 {strides = array<i32>} : memref<2x2048x64xf32, #tpu.memory_space<vmem>>, vector<1x256x64xf32>,
    %slice3A_23 = vector.extract_strided_slice %get3A_1 {offsets = [256, 0], sizes = [256, 64], strides = [1, 1]} : vector<2048x64xf32> to vector<256x64xf32>
    %dot_general3A_24 = arith.constant dense<0.000000e+00> : vector<256x2048xf32>
    %dot_general3A_25 = tpu.matmul %slice3A_23, %get3A_4, %dot_general3A_24 {dimension_numbers = #tpu.dot_dimension_numbers<[1], [1], [0], [0], [0, 0, 1, 0], [], []>, transpose_lhs_hint = false} : vector<256x64xf32>, vector<2048x64xf32>, vector<256x2048xf32> -> vector<256x2048xf32>
    %mul3A_26 = arith.constant 1.250000e-01 : f32
    %mul3A_27 = vector.broadcast %mul3A_26 : f32 to vector<256x2048xf32>
    %mul3A_28 = arith.mulf %dot_general3A_25, %mul3A_27 : vector<256x2048xf32>
    %reduce_max3A_29 = arith.constant dense<0xFF800000> : vector<256xf32>
    %reduce_max3A_30 = vector.multi_reduction <maximumf>, %mul3A_28, %reduce_max3A_29 [1] : vector<256x2048xf32> to vector<256xf32>
    %broadcast_in_dim3A_31 = vector.shape_cast %reduce_max3A_30 : vector<256xf32> to vector<256x1xf32>
    %sub3A_32 = vector.broadcast %broadcast_in_dim3A_31 : vector<256x1xf32> to vector<256x2048xf32>
    %sub3A_33 = arith.subf %mul3A_28, %sub3A_32 : vector<256x2048xf32>
    %exp3A_34 = math.exp %sub3A_33 : vector<256x2048xf32>
    %reduce_sum3A_35 = arith.constant dense<0.000000e+00> : vector<256xf32>
    %reduce_sum3A_36 = vector.multi_reduction <add>, %exp3A_34, %reduce_sum3A_35 [1] : vector<256x2048xf32> to vector<256xf32>
    %broadcast_in_dim3A_37 = vector.shape_cast %reduce_sum3A_36 : vector<256xf32> to vector<256x1xf32>
    %dot_general3A_38 = arith.constant dense<0.000000e+00> : vector<256x64xf32>
    %dot_general3A_39 = tpu.matmul %exp3A_34, %get3A_7, %dot_general3A_38 {dimension_numbers = #tpu.dot_dimension_numbers<[1], [0], [0], [1], [0, 0, 1, 1], [], []>, transpose_lhs_hint = false} : vector<256x2048xf32>, vector<2048x64xf32>, vector<256x64xf32> -> vector<256x64xf32>
    %div3A_40 = vector.broadcast %broadcast_in_dim3A_37 : vector<256x1xf32> to vector<256x64xf32>
    %div3A_41 = arith.divf %dot_general3A_39, %div3A_40 : vector<256x64xf32>
    %swap3A_42 = arith.constant 0 : index
    %swap3A_43 = arith.constant 256 : index
    %swap3A_44 = arith.constant 0 : index
    %swap3A_45 = vector.load %arg4[%swap3A_42, %swap3A_43, %swap3A_44] : memref<2x2048x64xf32, #tpu.memory_space<vmem>>, vector<1x256x64xf32>
    %swap3A_46 = vector.shape_cast %swap3A_45 : vector<1x256x64xf32> to vector<256x64xf32>
    %swap3A_47 = vector.shape_cast %div3A_41 : vector<256x64xf32> to vector<1x256x64xf32>
    tpu.vector_store %arg4[%swap3A_42, %swap3A_43, %swap3A_44], %swap3A_47 {strides = array<i32>} : memref<2x2048x64xf32, #tpu.memory_space<vmem>>, vector<1x256x64xf32>,
    %slice3A_48 = vector.extract_strided_slice %get3A_1 {offsets = [512, 0], sizes = [256, 64], strides = [1, 1]} : vector<2048x64xf32> to vector<256x64xf32>
    %dot_general3A_49 = arith.constant dense<0.000000e+00> : vector<256x2048xf32>
    %dot_general3A_50 = tpu.matmul %slice3A_48, %get3A_4, %dot_general3A_49 {dimension_numbers = #tpu.dot_dimension_numbers<[1], [1], [0], [0], [0, 0, 1, 0], [], []>, transpose_lhs_hint = false} : vector<256x64xf32>, vector<2048x64xf32>, vector<256x2048xf32> -> vector<256x2048xf32>
    %mul3A_51 = arith.constant 1.250000e-01 : f32
    %mul3A_52 = vector.broadcast %mul3A_51 : f32 to vector<256x2048xf32>
    %mul3A_53 = arith.mulf %dot_general3A_50, %mul3A_52 : vector<256x2048xf32>
    %reduce_max3A_54 = arith.constant dense<0xFF800000> : vector<256xf32>
    %reduce_max3A_55 = vector.multi_reduction <maximumf>, %mul3A_53, %reduce_max3A_54 [1] : vector<256x2048xf32> to vector<256xf32>
    %broadcast_in_dim3A_56 = vector.shape_cast %reduce_max3A_55 : vector<256xf32> to vector<256x1xf32>
    %sub3A_57 = vector.broadcast %broadcast_in_dim3A_56 : vector<256x1xf32> to vector<256x2048xf32>
    %sub3A_58 = arith.subf %mul3A_53, %sub3A_57 : vector<256x2048xf32>
    %exp3A_59 = math.exp %sub3A_58 : vector<256x2048xf32>
    %reduce_sum3A_60 = arith.constant dense<0.000000e+00> : vector<256xf32>
    %reduce_sum3A_61 = vector.multi_reduction <add>, %exp3A_59, %reduce_sum3A_60 [1] : vector<256x2048xf32> to vector<256xf32>
    %broadcast_in_dim3A_62 = vector.shape_cast %reduce_sum3A_61 : vector<256xf32> to vector<256x1xf32>
    %dot_general3A_63 = arith.constant dense<0.000000e+00> : vector<256x64xf32>
    %dot_general3A_64 = tpu.matmul %exp3A_59, %get3A_7, %dot_general3A_63 {dimension_numbers = #tpu.dot_dimension_numbers<[1], [0], [0], [1], [0, 0, 1, 1], [], []>, transpose_lhs_hint = false} : vector<256x2048xf32>, vector<2048x64xf32>, vector<256x64xf32> -> vector<256x64xf32>
    %div3A_65 = vector.broadcast %broadcast_in_dim3A_62 : vector<256x1xf32> to vector<256x64xf32>
    %div3A_66 = arith.divf %dot_general3A_64, %div3A_65 : vector<256x64xf32>
    %swap3A_67 = arith.constant 0 : index
    %swap3A_68 = arith.constant 512 : index
    %swap3A_69 = arith.constant 0 : index
    %swap3A_70 = vector.load %arg4[%swap3A_67, %swap3A_68, %swap3A_69] : memref<2x2048x64xf32, #tpu.memory_space<vmem>>, vector<1x256x64xf32>
    %swap3A_71 = vector.shape_cast %swap3A_70 : vector<1x256x64xf32> to vector<256x64xf32>
    %swap3A_72 = vector.shape_cast %div3A_66 : vector<256x64xf32> to vector<1x256x64xf32>
    tpu.vector_store %arg4[%swap3A_67, %swap3A_68, %swap3A_69], %swap3A_72 {strides = array<i32>} : memref<2x2048x64xf32, #tpu.memory_space<vmem>>, vector<1x256x64xf32>,
    %slice3A_73 = vector.extract_strided_slice %get3A_1 {offsets = [768, 0], sizes = [256, 64], strides = [1, 1]} : vector<2048x64xf32> to vector<256x64xf32>
    %dot_general3A_74 = arith.constant dense<0.000000e+00> : vector<256x2048xf32>
    %dot_general3A_75 = tpu.matmul %slice3A_73, %get3A_4, %dot_general3A_74 {dimension_numbers = #tpu.dot_dimension_numbers<[1], [1], [0], [0], [0, 0, 1, 0], [], []>, transpose_lhs_hint = false} : vector<256x64xf32>, vector<2048x64xf32>, vector<256x2048xf32> -> vector<256x2048xf32>
    %mul3A_76 = arith.constant 1.250000e-01 : f32
    %mul3A_77 = vector.broadcast %mul3A_76 : f32 to vector<256x2048xf32>
    %mul3A_78 = arith.mulf %dot_general3A_75, %mul3A_77 : vector<256x2048xf32>
    %reduce_max3A_79 = arith.constant dense<0xFF800000> : vector<256xf32>
    %reduce_max3A_80 = vector.multi_reduction <maximumf>, %mul3A_78, %reduce_max3A_79 [1] : vector<256x2048xf32> to vector<256xf32>
    %broadcast_in_dim3A_81 = vector.shape_cast %reduce_max3A_80 : vector<256xf32> to vector<256x1xf32>
    %sub3A_82 = vector.broadcast %broadcast_in_dim3A_81 : vector<256x1xf32> to vector<256x2048xf32>
    %sub3A_83 = arith.subf %mul3A_78, %sub3A_82 : vector<256x2048xf32>
    %exp3A_84 = math.exp %sub3A_83 : vector<256x2048xf32>
    %reduce_sum3A_85 = arith.constant dense<0.000000e+00> : vector<256xf32>
    %reduce_sum3A_86 = vector.multi_reduction <add>, %exp3A_84, %reduce_sum3A_85 [1] : vector<256x2048xf32> to vector<256xf32>
    %broadcast_in_dim3A_87 = vector.shape_cast %reduce_sum3A_86 : vector<256xf32> to vector<256x1xf32>
    %dot_general3A_88 = arith.constant dense<0.000000e+00> : vector<256x64xf32>
    %dot_general3A_89 = tpu.matmul %exp3A_84, %get3A_7, %dot_general3A_88 {dimension_numbers = #tpu.dot_dimension_numbers<[1], [0], [0], [1], [0, 0, 1, 1], [], []>, transpose_lhs_hint = false} : vector<256x2048xf32>, vector<2048x64xf32>, vector<256x64xf32> -> vector<256x64xf32>
    %div3A_90 = vector.broadcast %broadcast_in_dim3A_87 : vector<256x1xf32> to vector<256x64xf32>
    %div3A_91 = arith.divf %dot_general3A_89, %div3A_90 : vector<256x64xf32>
    %swap3A_92 = arith.constant 0 : index
    %swap3A_93 = arith.constant 768 : index
    %swap3A_94 = arith.constant 0 : index
    %swap3A_95 = vector.load %arg4[%swap3A_92, %swap3A_93, %swap3A_94] : memref<2x2048x64xf32, #tpu.memory_space<vmem>>, vector<1x256x64xf32>
    %swap3A_96 = vector.shape_cast %swap3A_95 : vector<1x256x64xf32> to vector<256x64xf32>
    %swap3A_97 = vector.shape_cast %div3A_91 : vector<256x64xf32> to vector<1x256x64xf32>
    tpu.vector_store %arg4[%swap3A_92, %swap3A_93, %swap3A_94], %swap3A_97 {strides = array<i32>} : memref<2x2048x64xf32, #tpu.memory_space<vmem>>, vector<1x256x64xf32>,
    %slice3A_98 = vector.extract_strided_slice %get3A_1 {offsets = [1024, 0], sizes = [256, 64], strides = [1, 1]} : vector<2048x64xf32> to vector<256x64xf32>
    %dot_general3A_99 = arith.constant dense<0.000000e+00> : vector<256x2048xf32>
    %dot_general3A_100 = tpu.matmul %slice3A_98, %get3A_4, %dot_general3A_99 {dimension_numbers = #tpu.dot_dimension_numbers<[1], [1], [0], [0], [0, 0, 1, 0], [], []>, transpose_lhs_hint = false} : vector<256x64xf32>, vector<2048x64xf32>, vector<256x2048xf32> -> vector<256x2048xf32>
    %mul3A_101 = arith.constant 1.250000e-01 : f32
    %mul3A_102 = vector.broadcast %mul3A_101 : f32 to vector<256x2048xf32>
    %mul3A_103 = arith.mulf %dot_general3A_100, %mul3A_102 : vector<256x2048xf32>
    %reduce_max3A_104 = arith.constant dense<0xFF800000> : vector<256xf32>
    %reduce_max3A_105 = vector.multi_reduction <maximumf>, %mul3A_103, %reduce_max3A_104 [1] : vector<256x2048xf32> to vector<256xf32>
    %broadcast_in_dim3A_106 = vector.shape_cast %reduce_max3A_105 : vector<256xf32> to vector<256x1xf32>
    %sub3A_107 = vector.broadcast %broadcast_in_dim3A_106 : vector<256x1xf32> to vector<256x2048xf32>
    %sub3A_108 = arith.subf %mul3A_103, %sub3A_107 : vector<256x2048xf32>
    %exp3A_109 = math.exp %sub3A_108 : vector<256x2048xf32>
    %reduce_sum3A_110 = arith.constant dense<0.000000e+00> : vector<256xf32>
    %reduce_sum3A_111 = vector.multi_reduction <add>, %exp3A_109, %reduce_sum3A_110 [1] : vector<256x2048xf32> to vector<256xf32>
    %broadcast_in_dim3A_112 = vector.shape_cast %reduce_sum3A_111 : vector<256xf32> to vector<256x1xf32>
    %dot_general3A_113 = arith.constant dense<0.000000e+00> : vector<256x64xf32>
    %dot_general3A_114 = tpu.matmul %exp3A_109, %get3A_7, %dot_general3A_113 {dimension_numbers = #tpu.dot_dimension_numbers<[1], [0], [0], [1], [0, 0, 1, 1], [], []>, transpose_lhs_hint = false} : vector<256x2048xf32>, vector<2048x64xf32>, vector<256x64xf32> -> vector<256x64xf32>
    %div3A_115 = vector.broadcast %broadcast_in_dim3A_112 : vector<256x1xf32> to vector<256x64xf32>
    %div3A_116 = arith.divf %dot_general3A_114, %div3A_115 : vector<256x64xf32>
    %swap3A_117 = arith.constant 0 : index
    %swap3A_118 = arith.constant 1024 : index
    %swap3A_119 = arith.constant 0 : index
    %swap3A_120 = vector.load %arg4[%swap3A_117, %swap3A_118, %swap3A_119] : memref<2x2048x64xf32, #tpu.memory_space<vmem>>, vector<1x256x64xf32>
    %swap3A_121 = vector.shape_cast %swap3A_120 : vector<1x256x64xf32> to vector<256x64xf32>
    %swap3A_122 = vector.shape_cast %div3A_116 : vector<256x64xf32> to vector<1x256x64xf32>
    tpu.vector_store %arg4[%swap3A_117, %swap3A_118, %swap3A_119], %swap3A_122 {strides = array<i32>} : memref<2x2048x64xf32, #tpu.memory_space<vmem>>, vector<1x256x64xf32>,
    %slice3A_123 = vector.extract_strided_slice %get3A_1 {offsets = [1280, 0], sizes = [256, 64], strides = [1, 1]} : vector<2048x64xf32> to vector<256x64xf32>
    %dot_general3A_124 = arith.constant dense<0.000000e+00> : vector<256x2048xf32>
    %dot_general3A_125 = tpu.matmul %slice3A_123, %get3A_4, %dot_general3A_124 {dimension_numbers = #tpu.dot_dimension_numbers<[1], [1], [0], [0], [0, 0, 1, 0], [], []>, transpose_lhs_hint = false} : vector<256x64xf32>, vector<2048x64xf32>, vector<256x2048xf32> -> vector<256x2048xf32>
    %mul3A_126 = arith.constant 1.250000e-01 : f32
    %mul3A_127 = vector.broadcast %mul3A_126 : f32 to vector<256x2048xf32>
    %mul3A_128 = arith.mulf %dot_general3A_125, %mul3A_127 : vector<256x2048xf32>
    %reduce_max3A_129 = arith.constant dense<0xFF800000> : vector<256xf32>
    %reduce_max3A_130 = vector.multi_reduction <maximumf>, %mul3A_128, %reduce_max3A_129 [1] : vector<256x2048xf32> to vector<256xf32>
    %broadcast_in_dim3A_131 = vector.shape_cast %reduce_max3A_130 : vector<256xf32> to vector<256x1xf32>
    %sub3A_132 = vector.broadcast %broadcast_in_dim3A_131 : vector<256x1xf32> to vector<256x2048xf32>
    %sub3A_133 = arith.subf %mul3A_128, %sub3A_132 : vector<256x2048xf32>
    %exp3A_134 = math.exp %sub3A_133 : vector<256x2048xf32>
    %reduce_sum3A_135 = arith.constant dense<0.000000e+00> : vector<256xf32>
    %reduce_sum3A_136 = vector.multi_reduction <add>, %exp3A_134, %reduce_sum3A_135 [1] : vector<256x2048xf32> to vector<256xf32>
    %broadcast_in_dim3A_137 = vector.shape_cast %reduce_sum3A_136 : vector<256xf32> to vector<256x1xf32>
    %dot_general3A_138 = arith.constant dense<0.000000e+00> : vector<256x64xf32>
    %dot_general3A_139 = tpu.matmul %exp3A_134, %get3A_7, %dot_general3A_138 {dimension_numbers = #tpu.dot_dimension_numbers<[1], [0], [0], [1], [0, 0, 1, 1], [], []>, transpose_lhs_hint = false} : vector<256x2048xf32>, vector<2048x64xf32>, vector<256x64xf32> -> vector<256x64xf32>
    %div3A_140 = vector.broadcast %broadcast_in_dim3A_137 : vector<256x1xf32> to vector<256x64xf32>
    %div3A_141 = arith.divf %dot_general3A_139, %div3A_140 : vector<256x64xf32>
    %swap3A_142 = arith.constant 0 : index
    %swap3A_143 = arith.constant 1280 : index
    %swap3A_144 = arith.constant 0 : index
    %swap3A_145 = vector.load %arg4[%swap3A_142, %swap3A_143, %swap3A_144] : memref<2x2048x64xf32, #tpu.memory_space<vmem>>, vector<1x256x64xf32>
    %swap3A_146 = vector.shape_cast %swap3A_145 : vector<1x256x64xf32> to vector<256x64xf32>
    %swap3A_147 = vector.shape_cast %div3A_141 : vector<256x64xf32> to vector<1x256x64xf32>
    tpu.vector_store %arg4[%swap3A_142, %swap3A_143, %swap3A_144], %swap3A_147 {strides = array<i32>} : memref<2x2048x64xf32, #tpu.memory_space<vmem>>, vector<1x256x64xf32>,
    %slice3A_148 = vector.extract_strided_slice %get3A_1 {offsets = [1536, 0], sizes = [256, 64], strides = [1, 1]} : vector<2048x64xf32> to vector<256x64xf32>
    %dot_general3A_149 = arith.constant dense<0.000000e+00> : vector<256x2048xf32>
    %dot_general3A_150 = tpu.matmul %slice3A_148, %get3A_4, %dot_general3A_149 {dimension_numbers = #tpu.dot_dimension_numbers<[1], [1], [0], [0], [0, 0, 1, 0], [], []>, transpose_lhs_hint = false} : vector<256x64xf32>, vector<2048x64xf32>, vector<256x2048xf32> -> vector<256x2048xf32>
    %mul3A_151 = arith.constant 1.250000e-01 : f32
    %mul3A_152 = vector.broadcast %mul3A_151 : f32 to vector<256x2048xf32>
    %mul3A_153 = arith.mulf %dot_general3A_150, %mul3A_152 : vector<256x2048xf32>
    %reduce_max3A_154 = arith.constant dense<0xFF800000> : vector<256xf32>
    %reduce_max3A_155 = vector.multi_reduction <maximumf>, %mul3A_153, %reduce_max3A_154 [1] : vector<256x2048xf32> to vector<256xf32>
    %broadcast_in_dim3A_156 = vector.shape_cast %reduce_max3A_155 : vector<256xf32> to vector<256x1xf32>
    %sub3A_157 = vector.broadcast %broadcast_in_dim3A_156 : vector<256x1xf32> to vector<256x2048xf32>
    %sub3A_158 = arith.subf %mul3A_153, %sub3A_157 : vector<256x2048xf32>
    %exp3A_159 = math.exp %sub3A_158 : vector<256x2048xf32>
    %reduce_sum3A_160 = arith.constant dense<0.000000e+00> : vector<256xf32>
    %reduce_sum3A_161 = vector.multi_reduction <add>, %exp3A_159, %reduce_sum3A_160 [1] : vector<256x2048xf32> to vector<256xf32>
    %broadcast_in_dim3A_162 = vector.shape_cast %reduce_sum3A_161 : vector<256xf32> to vector<256x1xf32>
    %dot_general3A_163 = arith.constant dense<0.000000e+00> : vector<256x64xf32>
    %dot_general3A_164 = tpu.matmul %exp3A_159, %get3A_7, %dot_general3A_163 {dimension_numbers = #tpu.dot_dimension_numbers<[1], [0], [0], [1], [0, 0, 1, 1], [], []>, transpose_lhs_hint = false} : vector<256x2048xf32>, vector<2048x64xf32>, vector<256x64xf32> -> vector<256x64xf32>
    %div3A_165 = vector.broadcast %broadcast_in_dim3A_162 : vector<256x1xf32> to vector<256x64xf32>
    %div3A_166 = arith.divf %dot_general3A_164, %div3A_165 : vector<256x64xf32>
    %swap3A_167 = arith.constant 0 : index
    %swap3A_168 = arith.constant 1536 : index
    %swap3A_169 = arith.constant 0 : index
    %swap3A_170 = vector.load %arg4[%swap3A_167, %swap3A_168, %swap3A_169] : memref<2x2048x64xf32, #tpu.memory_space<vmem>>, vector<1x256x64xf32>
    %swap3A_171 = vector.shape_cast %swap3A_170 : vector<1x256x64xf32> to vector<256x64xf32>
    %swap3A_172 = vector.shape_cast %div3A_166 : vector<256x64xf32> to vector<1x256x64xf32>
    tpu.vector_store %arg4[%swap3A_167, %swap3A_168, %swap3A_169], %swap3A_172 {strides = array<i32>} : memref<2x2048x64xf32, #tpu.memory_space<vmem>>, vector<1x256x64xf32>,
    %slice3A_173 = vector.extract_strided_slice %get3A_1 {offsets = [1792, 0], sizes = [256, 64], strides = [1, 1]} : vector<2048x64xf32> to vector<256x64xf32>
    %dot_general3A_174 = arith.constant dense<0.000000e+00> : vector<256x2048xf32>
    %dot_general3A_175 = tpu.matmul %slice3A_173, %get3A_4, %dot_general3A_174 {dimension_numbers = #tpu.dot_dimension_numbers<[1], [1], [0], [0], [0, 0, 1, 0], [], []>, transpose_lhs_hint = false} : vector<256x64xf32>, vector<2048x64xf32>, vector<256x2048xf32> -> vector<256x2048xf32>
    %mul3A_176 = arith.constant 1.250000e-01 : f32
    %mul3A_177 = vector.broadcast %mul3A_176 : f32 to vector<256x2048xf32>
    %mul3A_178 = arith.mulf %dot_general3A_175, %mul3A_177 : vector<256x2048xf32>
    %reduce_max3A_179 = arith.constant dense<0xFF800000> : vector<256xf32>
    %reduce_max3A_180 = vector.multi_reduction <maximumf>, %mul3A_178, %reduce_max3A_179 [1] : vector<256x2048xf32> to vector<256xf32>
    %broadcast_in_dim3A_181 = vector.shape_cast %reduce_max3A_180 : vector<256xf32> to vector<256x1xf32>
    %sub3A_182 = vector.broadcast %broadcast_in_dim3A_181 : vector<256x1xf32> to vector<256x2048xf32>
    %sub3A_183 = arith.subf %mul3A_178, %sub3A_182 : vector<256x2048xf32>
    %exp3A_184 = math.exp %sub3A_183 : vector<256x2048xf32>
    %reduce_sum3A_185 = arith.constant dense<0.000000e+00> : vector<256xf32>
    %reduce_sum3A_186 = vector.multi_reduction <add>, %exp3A_184, %reduce_sum3A_185 [1] : vector<256x2048xf32> to vector<256xf32>
    %broadcast_in_dim3A_187 = vector.shape_cast %reduce_sum3A_186 : vector<256xf32> to vector<256x1xf32>
    %dot_general3A_188 = arith.constant dense<0.000000e+00> : vector<256x64xf32>
    %dot_general3A_189 = tpu.matmul %exp3A_184, %get3A_7, %dot_general3A_188 {dimension_numbers = #tpu.dot_dimension_numbers<[1], [0], [0], [1], [0, 0, 1, 1], [], []>, transpose_lhs_hint = false} : vector<256x2048xf32>, vector<2048x64xf32>, vector<256x64xf32> -> vector<256x64xf32>
    %div3A_190 = vector.broadcast %broadcast_in_dim3A_187 : vector<256x1xf32> to vector<256x64xf32>
    %div3A_191 = arith.divf %dot_general3A_189, %div3A_190 : vector<256x64xf32>
    %swap3A_192 = arith.constant 0 : index
    %swap3A_193 = arith.constant 1792 : index
    %swap3A_194 = arith.constant 0 : index
    %swap3A_195 = vector.load %arg4[%swap3A_192, %swap3A_193, %swap3A_194] : memref<2x2048x64xf32, #tpu.memory_space<vmem>>, vector<1x256x64xf32>
    %swap3A_196 = vector.shape_cast %swap3A_195 : vector<1x256x64xf32> to vector<256x64xf32>
    %swap3A_197 = vector.shape_cast %div3A_191 : vector<256x64xf32> to vector<1x256x64xf32>
    tpu.vector_store %arg4[%swap3A_192, %swap3A_193, %swap3A_194], %swap3A_197 {strides = array<i32>} : memref<2x2048x64xf32, #tpu.memory_space<vmem>>, vector<1x256x64xf32>,
    %get3A_198 = arith.constant 0 : index
    %get3A_199 = arith.constant 64 : index
    %get3A_200 = vector.load %arg1[%get3A_198, %get3A_199] : memref<2048x128xf32, #tpu.memory_space<vmem>>, vector<2048x64xf32>
    %get3A_201 = arith.constant 0 : index
    %get3A_202 = arith.constant 64 : index
    %get3A_203 = vector.load %arg2[%get3A_201, %get3A_202] : memref<2048x128xf32, #tpu.memory_space<vmem>>, vector<2048x64xf32>
    %get3A_204 = arith.constant 0 : index
    %get3A_205 = arith.constant 64 : index
    %get3A_206 = vector.load %arg3[%get3A_204, %get3A_205] : memref<2048x128xf32, #tpu.memory_space<vmem>>, vector<2048x64xf32>
    %slice3A_207 = vector.extract_strided_slice %get3A_200 {offsets = [0, 0], sizes = [256, 64], strides = [1, 1]} : vector<2048x64xf32> to vector<256x64xf32>
    %dot_general3A_208 = arith.constant dense<0.000000e+00> : vector<256x2048xf32>
    %dot_general3A_209 = tpu.matmul %slice3A_207, %get3A_203, %dot_general3A_208 {dimension_numbers = #tpu.dot_dimension_numbers<[1], [1], [0], [0], [0, 0, 1, 0], [], []>, transpose_lhs_hint = false} : vector<256x64xf32>, vector<2048x64xf32>, vector<256x2048xf32> -> vector<256x2048xf32>
    %mul3A_210 = arith.constant 1.250000e-01 : f32
    %mul3A_211 = vector.broadcast %mul3A_210 : f32 to vector<256x2048xf32>
    %mul3A_212 = arith.mulf %dot_general3A_209, %mul3A_211 : vector<256x2048xf32>
    %reduce_max3A_213 = arith.constant dense<0xFF800000> : vector<256xf32>
    %reduce_max3A_214 = vector.multi_reduction <maximumf>, %mul3A_212, %reduce_max3A_213 [1] : vector<256x2048xf32> to vector<256xf32>
    %broadcast_in_dim3A_215 = vector.shape_cast %reduce_max3A_214 : vector<256xf32> to vector<256x1xf32>
    %sub3A_216 = vector.broadcast %broadcast_in_dim3A_215 : vector<256x1xf32> to vector<256x2048xf32>
    %sub3A_217 = arith.subf %mul3A_212, %sub3A_216 : vector<256x2048xf32>
    %exp3A_218 = math.exp %sub3A_217 : vector<256x2048xf32>
    %reduce_sum3A_219 = arith.constant dense<0.000000e+00> : vector<256xf32>
    %reduce_sum3A_220 = vector.multi_reduction <add>, %exp3A_218, %reduce_sum3A_219 [1] : vector<256x2048xf32> to vector<256xf32>
    %broadcast_in_dim3A_221 = vector.shape_cast %reduce_sum3A_220 : vector<256xf32> to vector<256x1xf32>
    %dot_general3A_222 = arith.constant dense<0.000000e+00> : vector<256x64xf32>
    %dot_general3A_223 = tpu.matmul %exp3A_218, %get3A_206, %dot_general3A_222 {dimension_numbers = #tpu.dot_dimension_numbers<[1], [0], [0], [1], [0, 0, 1, 1], [], []>, transpose_lhs_hint = false} : vector<256x2048xf32>, vector<2048x64xf32>, vector<256x64xf32> -> vector<256x64xf32>
    %div3A_224 = vector.broadcast %broadcast_in_dim3A_221 : vector<256x1xf32> to vector<256x64xf32>
    %div3A_225 = arith.divf %dot_general3A_223, %div3A_224 : vector<256x64xf32>
    %swap3A_226 = arith.constant 1 : index
    %swap3A_227 = arith.constant 0 : index
    %swap3A_228 = arith.constant 0 : index
    %swap3A_229 = vector.load %arg4[%swap3A_226, %swap3A_227, %swap3A_228] : memref<2x2048x64xf32, #tpu.memory_space<vmem>>, vector<1x256x64xf32>
    %swap3A_230 = vector.shape_cast %swap3A_229 : vector<1x256x64xf32> to vector<256x64xf32>
    %swap3A_231 = vector.shape_cast %div3A_225 : vector<256x64xf32> to vector<1x256x64xf32>
    tpu.vector_store %arg4[%swap3A_226, %swap3A_227, %swap3A_228], %swap3A_231 {strides = array<i32>} : memref<2x2048x64xf32, #tpu.memory_space<vmem>>, vector<1x256x64xf32>,
    %slice3A_232 = vector.extract_strided_slice %get3A_200 {offsets = [256, 0], sizes = [256, 64], strides = [1, 1]} : vector<2048x64xf32> to vector<256x64xf32>
    %dot_general3A_233 = arith.constant dense<0.000000e+00> : vector<256x2048xf32>
    %dot_general3A_234 = tpu.matmul %slice3A_232, %get3A_203, %dot_general3A_233 {dimension_numbers = #tpu.dot_dimension_numbers<[1], [1], [0], [0], [0, 0, 1, 0], [], []>, transpose_lhs_hint = false} : vector<256x64xf32>, vector<2048x64xf32>, vector<256x2048xf32> -> vector<256x2048xf32>
    %mul3A_235 = arith.constant 1.250000e-01 : f32
    %mul3A_236 = vector.broadcast %mul3A_235 : f32 to vector<256x2048xf32>
    %mul3A_237 = arith.mulf %dot_general3A_234, %mul3A_236 : vector<256x2048xf32>
    %reduce_max3A_238 = arith.constant dense<0xFF800000> : vector<256xf32>
    %reduce_max3A_239 = vector.multi_reduction <maximumf>, %mul3A_237, %reduce_max3A_238 [1] : vector<256x2048xf32> to vector<256xf32>
    %broadcast_in_dim3A_240 = vector.shape_cast %reduce_max3A_239 : vector<256xf32> to vector<256x1xf32>
    %sub3A_241 = vector.broadcast %broadcast_in_dim3A_240 : vector<256x1xf32> to vector<256x2048xf32>
    %sub3A_242 = arith.subf %mul3A_237, %sub3A_241 : vector<256x2048xf32>
    %exp3A_243 = math.exp %sub3A_242 : vector<256x2048xf32>
    %reduce_sum3A_244 = arith.constant dense<0.000000e+00> : vector<256xf32>
    %reduce_sum3A_245 = vector.multi_reduction <add>, %exp3A_243, %reduce_sum3A_244 [1] : vector<256x2048xf32> to vector<256xf32>
    %broadcast_in_dim3A_246 = vector.shape_cast %reduce_sum3A_245 : vector<256xf32> to vector<256x1xf32>
    %dot_general3A_247 = arith.constant dense<0.000000e+00> : vector<256x64xf32>
    %dot_general3A_248 = tpu.matmul %exp3A_243, %get3A_206, %dot_general3A_247 {dimension_numbers = #tpu.dot_dimension_numbers<[1], [0], [0], [1], [0, 0, 1, 1], [], []>, transpose_lhs_hint = false} : vector<256x2048xf32>, vector<2048x64xf32>, vector<256x64xf32> -> vector<256x64xf32>
    %div3A_249 = vector.broadcast %broadcast_in_dim3A_246 : vector<256x1xf32> to vector<256x64xf32>
    %div3A_250 = arith.divf %dot_general3A_248, %div3A_249 : vector<256x64xf32>
    %swap3A_251 = arith.constant 1 : index
    %swap3A_252 = arith.constant 256 : index
    %swap3A_253 = arith.constant 0 : index
    %swap3A_254 = vector.load %arg4[%swap3A_251, %swap3A_252, %swap3A_253] : memref<2x2048x64xf32, #tpu.memory_space<vmem>>, vector<1x256x64xf32>
    %swap3A_255 = vector.shape_cast %swap3A_254 : vector<1x256x64xf32> to vector<256x64xf32>
    %swap3A_256 = vector.shape_cast %div3A_250 : vector<256x64xf32> to vector<1x256x64xf32>
    tpu.vector_store %arg4[%swap3A_251, %swap3A_252, %swap3A_253], %swap3A_256 {strides = array<i32>} : memref<2x2048x64xf32, #tpu.memory_space<vmem>>, vector<1x256x64xf32>,
    %slice3A_257 = vector.extract_strided_slice %get3A_200 {offsets = [512, 0], sizes = [256, 64], strides = [1, 1]} : vector<2048x64xf32> to vector<256x64xf32>
    %dot_general3A_258 = arith.constant dense<0.000000e+00> : vector<256x2048xf32>
    %dot_general3A_259 = tpu.matmul %slice3A_257, %get3A_203, %dot_general3A_258 {dimension_numbers = #tpu.dot_dimension_numbers<[1], [1], [0], [0], [0, 0, 1, 0], [], []>, transpose_lhs_hint = false} : vector<256x64xf32>, vector<2048x64xf32>, vector<256x2048xf32> -> vector<256x2048xf32>
    %mul3A_260 = arith.constant 1.250000e-01 : f32
    %mul3A_261 = vector.broadcast %mul3A_260 : f32 to vector<256x2048xf32>
    %mul3A_262 = arith.mulf %dot_general3A_259, %mul3A_261 : vector<256x2048xf32>
    %reduce_max3A_263 = arith.constant dense<0xFF800000> : vector<256xf32>
    %reduce_max3A_264 = vector.multi_reduction <maximumf>, %mul3A_262, %reduce_max3A_263 [1] : vector<256x2048xf32> to vector<256xf32>
    %broadcast_in_dim3A_265 = vector.shape_cast %reduce_max3A_264 : vector<256xf32> to vector<256x1xf32>
    %sub3A_266 = vector.broadcast %broadcast_in_dim3A_265 : vector<256x1xf32> to vector<256x2048xf32>
    %sub3A_267 = arith.subf %mul3A_262, %sub3A_266 : vector<256x2048xf32>
    %exp3A_268 = math.exp %sub3A_267 : vector<256x2048xf32>
    %reduce_sum3A_269 = arith.constant dense<0.000000e+00> : vector<256xf32>
    %reduce_sum3A_270 = vector.multi_reduction <add>, %exp3A_268, %reduce_sum3A_269 [1] : vector<256x2048xf32> to vector<256xf32>
    %broadcast_in_dim3A_271 = vector.shape_cast %reduce_sum3A_270 : vector<256xf32> to vector<256x1xf32>
    %dot_general3A_272 = arith.constant dense<0.000000e+00> : vector<256x64xf32>
    %dot_general3A_273 = tpu.matmul %exp3A_268, %get3A_206, %dot_general3A_272 {dimension_numbers = #tpu.dot_dimension_numbers<[1], [0], [0], [1], [0, 0, 1, 1], [], []>, transpose_lhs_hint = false} : vector<256x2048xf32>, vector<2048x64xf32>, vector<256x64xf32> -> vector<256x64xf32>
    %div3A_274 = vector.broadcast %broadcast_in_dim3A_271 : vector<256x1xf32> to vector<256x64xf32>
    %div3A_275 = arith.divf %dot_general3A_273, %div3A_274 : vector<256x64xf32>
    %swap3A_276 = arith.constant 1 : index
    %swap3A_277 = arith.constant 512 : index
    %swap3A_278 = arith.constant 0 : index
    %swap3A_279 = vector.load %arg4[%swap3A_276, %swap3A_277, %swap3A_278] : memref<2x2048x64xf32, #tpu.memory_space<vmem>>, vector<1x256x64xf32>
    %swap3A_280 = vector.shape_cast %swap3A_279 : vector<1x256x64xf32> to vector<256x64xf32>
    %swap3A_281 = vector.shape_cast %div3A_275 : vector<256x64xf32> to vector<1x256x64xf32>
    tpu.vector_store %arg4[%swap3A_276, %swap3A_277, %swap3A_278], %swap3A_281 {strides = array<i32>} : memref<2x2048x64xf32, #tpu.memory_space<vmem>>, vector<1x256x64xf32>,
    %slice3A_282 = vector.extract_strided_slice %get3A_200 {offsets = [768, 0], sizes = [256, 64], strides = [1, 1]} : vector<2048x64xf32> to vector<256x64xf32>
    %dot_general3A_283 = arith.constant dense<0.000000e+00> : vector<256x2048xf32>
    %dot_general3A_284 = tpu.matmul %slice3A_282, %get3A_203, %dot_general3A_283 {dimension_numbers = #tpu.dot_dimension_numbers<[1], [1], [0], [0], [0, 0, 1, 0], [], []>, transpose_lhs_hint = false} : vector<256x64xf32>, vector<2048x64xf32>, vector<256x2048xf32> -> vector<256x2048xf32>
    %mul3A_285 = arith.constant 1.250000e-01 : f32
    %mul3A_286 = vector.broadcast %mul3A_285 : f32 to vector<256x2048xf32>
    %mul3A_287 = arith.mulf %dot_general3A_284, %mul3A_286 : vector<256x2048xf32>
    %reduce_max3A_288 = arith.constant dense<0xFF800000> : vector<256xf32>
    %reduce_max3A_289 = vector.multi_reduction <maximumf>, %mul3A_287, %reduce_max3A_288 [1] : vector<256x2048xf32> to vector<256xf32>
    %broadcast_in_dim3A_290 = vector.shape_cast %reduce_max3A_289 : vector<256xf32> to vector<256x1xf32>
    %sub3A_291 = vector.broadcast %broadcast_in_dim3A_290 : vector<256x1xf32> to vector<256x2048xf32>
    %sub3A_292 = arith.subf %mul3A_287, %sub3A_291 : vector<256x2048xf32>
    %exp3A_293 = math.exp %sub3A_292 : vector<256x2048xf32>
    %reduce_sum3A_294 = arith.constant dense<0.000000e+00> : vector<256xf32>
    %reduce_sum3A_295 = vector.multi_reduction <add>, %exp3A_293, %reduce_sum3A_294 [1] : vector<256x2048xf32> to vector<256xf32>
    %broadcast_in_dim3A_296 = vector.shape_cast %reduce_sum3A_295 : vector<256xf32> to vector<256x1xf32>
    %dot_general3A_297 = arith.constant dense<0.000000e+00> : vector<256x64xf32>
    %dot_general3A_298 = tpu.matmul %exp3A_293, %get3A_206, %dot_general3A_297 {dimension_numbers = #tpu.dot_dimension_numbers<[1], [0], [0], [1], [0, 0, 1, 1], [], []>, transpose_lhs_hint = false} : vector<256x2048xf32>, vector<2048x64xf32>, vector<256x64xf32> -> vector<256x64xf32>
    %div3A_299 = vector.broadcast %broadcast_in_dim3A_296 : vector<256x1xf32> to vector<256x64xf32>
    %div3A_300 = arith.divf %dot_general3A_298, %div3A_299 : vector<256x64xf32>
    %swap3A_301 = arith.constant 1 : index
    %swap3A_302 = arith.constant 768 : index
    %swap3A_303 = arith.constant 0 : index
    %swap3A_304 = vector.load %arg4[%swap3A_301, %swap3A_302, %swap3A_303] : memref<2x2048x64xf32, #tpu.memory_space<vmem>>, vector<1x256x64xf32>
    %swap3A_305 = vector.shape_cast %swap3A_304 : vector<1x256x64xf32> to vector<256x64xf32>
    %swap3A_306 = vector.shape_cast %div3A_300 : vector<256x64xf32> to vector<1x256x64xf32>
    tpu.vector_store %arg4[%swap3A_301, %swap3A_302, %swap3A_303], %swap3A_306 {strides = array<i32>} : memref<2x2048x64xf32, #tpu.memory_space<vmem>>, vector<1x256x64xf32>,
    %slice3A_307 = vector.extract_strided_slice %get3A_200 {offsets = [1024, 0], sizes = [256, 64], strides = [1, 1]} : vector<2048x64xf32> to vector<256x64xf32>
    %dot_general3A_308 = arith.constant dense<0.000000e+00> : vector<256x2048xf32>
    %dot_general3A_309 = tpu.matmul %slice3A_307, %get3A_203, %dot_general3A_308 {dimension_numbers = #tpu.dot_dimension_numbers<[1], [1], [0], [0], [0, 0, 1, 0], [], []>, transpose_lhs_hint = false} : vector<256x64xf32>, vector<2048x64xf32>, vector<256x2048xf32> -> vector<256x2048xf32>
    %mul3A_310 = arith.constant 1.250000e-01 : f32
    %mul3A_311 = vector.broadcast %mul3A_310 : f32 to vector<256x2048xf32>
    %mul3A_312 = arith.mulf %dot_general3A_309, %mul3A_311 : vector<256x2048xf32>
    %reduce_max3A_313 = arith.constant dense<0xFF800000> : vector<256xf32>
    %reduce_max3A_314 = vector.multi_reduction <maximumf>, %mul3A_312, %reduce_max3A_313 [1] : vector<256x2048xf32> to vector<256xf32>
    %broadcast_in_dim3A_315 = vector.shape_cast %reduce_max3A_314 : vector<256xf32> to vector<256x1xf32>
    %sub3A_316 = vector.broadcast %broadcast_in_dim3A_315 : vector<256x1xf32> to vector<256x2048xf32>
    %sub3A_317 = arith.subf %mul3A_312, %sub3A_316 : vector<256x2048xf32>
    %exp3A_318 = math.exp %sub3A_317 : vector<256x2048xf32>
    %reduce_sum3A_319 = arith.constant dense<0.000000e+00> : vector<256xf32>
    %reduce_sum3A_320 = vector.multi_reduction <add>, %exp3A_318, %reduce_sum3A_319 [1] : vector<256x2048xf32> to vector<256xf32>
    %broadcast_in_dim3A_321 = vector.shape_cast %reduce_sum3A_320 : vector<256xf32> to vector<256x1xf32>
    %dot_general3A_322 = arith.constant dense<0.000000e+00> : vector<256x64xf32>
    %dot_general3A_323 = tpu.matmul %exp3A_318, %get3A_206, %dot_general3A_322 {dimension_numbers = #tpu.dot_dimension_numbers<[1], [0], [0], [1], [0, 0, 1, 1], [], []>, transpose_lhs_hint = false} : vector<256x2048xf32>, vector<2048x64xf32>, vector<256x64xf32> -> vector<256x64xf32>
    %div3A_324 = vector.broadcast %broadcast_in_dim3A_321 : vector<256x1xf32> to vector<256x64xf32>
    %div3A_325 = arith.divf %dot_general3A_323, %div3A_324 : vector<256x64xf32>
    %swap3A_326 = arith.constant 1 : index
    %swap3A_327 = arith.constant 1024 : index
    %swap3A_328 = arith.constant 0 : index
    %swap3A_329 = vector.load %arg4[%swap3A_326, %swap3A_327, %swap3A_328] : memref<2x2048x64xf32, #tpu.memory_space<vmem>>, vector<1x256x64xf32>
    %swap3A_330 = vector.shape_cast %swap3A_329 : vector<1x256x64xf32> to vector<256x64xf32>
    %swap3A_331 = vector.shape_cast %div3A_325 : vector<256x64xf32> to vector<1x256x64xf32>
    tpu.vector_store %arg4[%swap3A_326, %swap3A_327, %swap3A_328], %swap3A_331 {strides = array<i32>} : memref<2x2048x64xf32, #tpu.memory_space<vmem>>, vector<1x256x64xf32>,
    %slice3A_332 = vector.extract_strided_slice %get3A_200 {offsets = [1280, 0], sizes = [256, 64], strides = [1, 1]} : vector<2048x64xf32> to vector<256x64xf32>
    %dot_general3A_333 = arith.constant dense<0.000000e+00> : vector<256x2048xf32>
    %dot_general3A_334 = tpu.matmul %slice3A_332, %get3A_203, %dot_general3A_333 {dimension_numbers = #tpu.dot_dimension_numbers<[1], [1], [0], [0], [0, 0, 1, 0], [], []>, transpose_lhs_hint = false} : vector<256x64xf32>, vector<2048x64xf32>, vector<256x2048xf32> -> vector<256x2048xf32>
    %mul3A_335 = arith.constant 1.250000e-01 : f32
    %mul3A_336 = vector.broadcast %mul3A_335 : f32 to vector<256x2048xf32>
    %mul3A_337 = arith.mulf %dot_general3A_334, %mul3A_336 : vector<256x2048xf32>
    %reduce_max3A_338 = arith.constant dense<0xFF800000> : vector<256xf32>
    %reduce_max3A_339 = vector.multi_reduction <maximumf>, %mul3A_337, %reduce_max3A_338 [1] : vector<256x2048xf32> to vector<256xf32>
    %broadcast_in_dim3A_340 = vector.shape_cast %reduce_max3A_339 : vector<256xf32> to vector<256x1xf32>
    %sub3A_341 = vector.broadcast %broadcast_in_dim3A_340 : vector<256x1xf32> to vector<256x2048xf32>
    %sub3A_342 = arith.subf %mul3A_337, %sub3A_341 : vector<256x2048xf32>
    %exp3A_343 = math.exp %sub3A_342 : vector<256x2048xf32>
    %reduce_sum3A_344 = arith.constant dense<0.000000e+00> : vector<256xf32>
    %reduce_sum3A_345 = vector.multi_reduction <add>, %exp3A_343, %reduce_sum3A_344 [1] : vector<256x2048xf32> to vector<256xf32>
    %broadcast_in_dim3A_346 = vector.shape_cast %reduce_sum3A_345 : vector<256xf32> to vector<256x1xf32>
    %dot_general3A_347 = arith.constant dense<0.000000e+00> : vector<256x64xf32>
    %dot_general3A_348 = tpu.matmul %exp3A_343, %get3A_206, %dot_general3A_347 {dimension_numbers = #tpu.dot_dimension_numbers<[1], [0], [0], [1], [0, 0, 1, 1], [], []>, transpose_lhs_hint = false} : vector<256x2048xf32>, vector<2048x64xf32>, vector<256x64xf32> -> vector<256x64xf32>
    %div3A_349 = vector.broadcast %broadcast_in_dim3A_346 : vector<256x1xf32> to vector<256x64xf32>
    %div3A_350 = arith.divf %dot_general3A_348, %div3A_349 : vector<256x64xf32>
    %swap3A_351 = arith.constant 1 : index
    %swap3A_352 = arith.constant 1280 : index
    %swap3A_353 = arith.constant 0 : index
    %swap3A_354 = vector.load %arg4[%swap3A_351, %swap3A_352, %swap3A_353] : memref<2x2048x64xf32, #tpu.memory_space<vmem>>, vector<1x256x64xf32>
    %swap3A_355 = vector.shape_cast %swap3A_354 : vector<1x256x64xf32> to vector<256x64xf32>
    %swap3A_356 = vector.shape_cast %div3A_350 : vector<256x64xf32> to vector<1x256x64xf32>
    tpu.vector_store %arg4[%swap3A_351, %swap3A_352, %swap3A_353], %swap3A_356 {strides = array<i32>} : memref<2x2048x64xf32, #tpu.memory_space<vmem>>, vector<1x256x64xf32>,
    %slice3A_357 = vector.extract_strided_slice %get3A_200 {offsets = [1536, 0], sizes = [256, 64], strides = [1, 1]} : vector<2048x64xf32> to vector<256x64xf32>
    %dot_general3A_358 = arith.constant dense<0.000000e+00> : vector<256x2048xf32>
    %dot_general3A_359 = tpu.matmul %slice3A_357, %get3A_203, %dot_general3A_358 {dimension_numbers = #tpu.dot_dimension_numbers<[1], [1], [0], [0], [0, 0, 1, 0], [], []>, transpose_lhs_hint = false} : vector<256x64xf32>, vector<2048x64xf32>, vector<256x2048xf32> -> vector<256x2048xf32>
    %mul3A_360 = arith.constant 1.250000e-01 : f32
    %mul3A_361 = vector.broadcast %mul3A_360 : f32 to vector<256x2048xf32>
    %mul3A_362 = arith.mulf %dot_general3A_359, %mul3A_361 : vector<256x2048xf32>
    %reduce_max3A_363 = arith.constant dense<0xFF800000> : vector<256xf32>
    %reduce_max3A_364 = vector.multi_reduction <maximumf>, %mul3A_362, %reduce_max3A_363 [1] : vector<256x2048xf32> to vector<256xf32>
    %broadcast_in_dim3A_365 = vector.shape_cast %reduce_max3A_364 : vector<256xf32> to vector<256x1xf32>
    %sub3A_366 = vector.broadcast %broadcast_in_dim3A_365 : vector<256x1xf32> to vector<256x2048xf32>
    %sub3A_367 = arith.subf %mul3A_362, %sub3A_366 : vector<256x2048xf32>
    %exp3A_368 = math.exp %sub3A_367 : vector<256x2048xf32>
    %reduce_sum3A_369 = arith.constant dense<0.000000e+00> : vector<256xf32>
    %reduce_sum3A_370 = vector.multi_reduction <add>, %exp3A_368, %reduce_sum3A_369 [1] : vector<256x2048xf32> to vector<256xf32>
    %broadcast_in_dim3A_371 = vector.shape_cast %reduce_sum3A_370 : vector<256xf32> to vector<256x1xf32>
    %dot_general3A_372 = arith.constant dense<0.000000e+00> : vector<256x64xf32>
    %dot_general3A_373 = tpu.matmul %exp3A_368, %get3A_206, %dot_general3A_372 {dimension_numbers = #tpu.dot_dimension_numbers<[1], [0], [0], [1], [0, 0, 1, 1], [], []>, transpose_lhs_hint = false} : vector<256x2048xf32>, vector<2048x64xf32>, vector<256x64xf32> -> vector<256x64xf32>
    %div3A_374 = vector.broadcast %broadcast_in_dim3A_371 : vector<256x1xf32> to vector<256x64xf32>
    %div3A_375 = arith.divf %dot_general3A_373, %div3A_374 : vector<256x64xf32>
    %swap3A_376 = arith.constant 1 : index
    %swap3A_377 = arith.constant 1536 : index
    %swap3A_378 = arith.constant 0 : index
    %swap3A_379 = vector.load %arg4[%swap3A_376, %swap3A_377, %swap3A_378] : memref<2x2048x64xf32, #tpu.memory_space<vmem>>, vector<1x256x64xf32>
    %swap3A_380 = vector.shape_cast %swap3A_379 : vector<1x256x64xf32> to vector<256x64xf32>
    %swap3A_381 = vector.shape_cast %div3A_375 : vector<256x64xf32> to vector<1x256x64xf32>
    tpu.vector_store %arg4[%swap3A_376, %swap3A_377, %swap3A_378], %swap3A_381 {strides = array<i32>} : memref<2x2048x64xf32, #tpu.memory_space<vmem>>, vector<1x256x64xf32>,
    %slice3A_382 = vector.extract_strided_slice %get3A_200 {offsets = [1792, 0], sizes = [256, 64], strides = [1, 1]} : vector<2048x64xf32> to vector<256x64xf32>
    %dot_general3A_383 = arith.constant dense<0.000000e+00> : vector<256x2048xf32>
    %dot_general3A_384 = tpu.matmul %slice3A_382, %get3A_203, %dot_general3A_383 {dimension_numbers = #tpu.dot_dimension_numbers<[1], [1], [0], [0], [0, 0, 1, 0], [], []>, transpose_lhs_hint = false} : vector<256x64xf32>, vector<2048x64xf32>, vector<256x2048xf32> -> vector<256x2048xf32>
    %mul3A_385 = arith.constant 1.250000e-01 : f32
    %mul3A_386 = vector.broadcast %mul3A_385 : f32 to vector<256x2048xf32>
    %mul3A_387 = arith.mulf %dot_general3A_384, %mul3A_386 : vector<256x2048xf32>
    %reduce_max3A_388 = arith.constant dense<0xFF800000> : vector<256xf32>
    %reduce_max3A_389 = vector.multi_reduction <maximumf>, %mul3A_387, %reduce_max3A_388 [1] : vector<256x2048xf32> to vector<256xf32>
    %broadcast_in_dim3A_390 = vector.shape_cast %reduce_max3A_389 : vector<256xf32> to vector<256x1xf32>
    %sub3A_391 = vector.broadcast %broadcast_in_dim3A_390 : vector<256x1xf32> to vector<256x2048xf32>
    %sub3A_392 = arith.subf %mul3A_387, %sub3A_391 : vector<256x2048xf32>
    %exp3A_393 = math.exp %sub3A_392 : vector<256x2048xf32>
    %reduce_sum3A_394 = arith.constant dense<0.000000e+00> : vector<256xf32>
    %reduce_sum3A_395 = vector.multi_reduction <add>, %exp3A_393, %reduce_sum3A_394 [1] : vector<256x2048xf32> to vector<256xf32>
    %broadcast_in_dim3A_396 = vector.shape_cast %reduce_sum3A_395 : vector<256xf32> to vector<256x1xf32>
    %dot_general3A_397 = arith.constant dense<0.000000e+00> : vector<256x64xf32>
    %dot_general3A_398 = tpu.matmul %exp3A_393, %get3A_206, %dot_general3A_397 {dimension_numbers = #tpu.dot_dimension_numbers<[1], [0], [0], [1], [0, 0, 1, 1], [], []>, transpose_lhs_hint = false} : vector<256x2048xf32>, vector<2048x64xf32>, vector<256x64xf32> -> vector<256x64xf32>
    %div3A_399 = vector.broadcast %broadcast_in_dim3A_396 : vector<256x1xf32> to vector<256x64xf32>
    %div3A_400 = arith.divf %dot_general3A_398, %div3A_399 : vector<256x64xf32>
    %swap3A_401 = arith.constant 1 : index
    %swap3A_402 = arith.constant 1792 : index
    %swap3A_403 = arith.constant 0 : index
    %swap3A_404 = vector.load %arg4[%swap3A_401, %swap3A_402, %swap3A_403] : memref<2x2048x64xf32, #tpu.memory_space<vmem>>, vector<1x256x64xf32>
    %swap3A_405 = vector.shape_cast %swap3A_404 : vector<1x256x64xf32> to vector<256x64xf32>
    %swap3A_406 = vector.shape_cast %div3A_400 : vector<256x64xf32> to vector<1x256x64xf32>
    tpu.vector_store %arg4[%swap3A_401, %swap3A_402, %swap3A_403], %swap3A_406 {strides = array<i32>} : memref<2x2048x64xf32, #tpu.memory_space<vmem>>, vector<1x256x64xf32>,
    return
  }
  func.func @transform_0(%arg0: i32) -> (i32, i32) {
    %c0_i32 = arith.constant 0 : i32
    %c0_i32_0 = arith.constant 0 : i32
    return %c0_i32, %arg0 : i32, i32
  }
  func.func @transform_1(%arg0: i32) -> (i32, i32) {
    %add3A = arith.constant 6 : i32
    %add3A_0 = arith.addi %add3A, %arg0 : i32
    %c0_i32 = arith.constant 0 : i32
    %c0_i32_1 = arith.constant 0 : i32
    return %c0_i32, %add3A_0 : i32, i32
  }
  func.func @transform_2(%arg0: i32) -> (i32, i32) {
    %add3A = arith.constant 12 : i32
    %add3A_0 = arith.addi %add3A, %arg0 : i32
    %c0_i32 = arith.constant 0 : i32
    %c0_i32_1 = arith.constant 0 : i32
    return %c0_i32, %add3A_0 : i32, i32
  }
  func.func @transform_3(%arg0: i32) -> (i32, i32, i32) {
    %c0_i32 = arith.constant 0 : i32
    %c0_i32_0 = arith.constant 0 : i32
    %c0_i32_1 = arith.constant 0 : i32
    return %arg0, %c0_i32, %c0_i32_0 : i32, i32, i32
  }
}

module attributes {stable_mosaic.version = 14 : i64} {
  func.func @_ffn_kernel(%arg0: i32, %arg1: memref<25xi32, #tpu.memory_space<smem>>, %arg2: memref<256x768xf32, #tpu.memory_space<vmem>>, %arg3: memref<1x2048x768xf32, #tpu.memory_space<vmem>>, %arg4: memref<1x1x2048xf32, #tpu.memory_space<vmem>>, %arg5: memref<1x768x2048xf32, #tpu.memory_space<vmem>>, %arg6: memref<1x1x768xf32, #tpu.memory_space<vmem>>, %arg7: memref<256x768xf32, #tpu.memory_space<vmem>>, %arg8: memref<1x1x768xf32, #tpu.memory_space<vmem>>) attributes {dimension_semantics = [#tpu.dimension_semantics<arbitrary>], iteration_bounds = array<i64: 24>, scalar_prefetch = 1 : i64, scratch_operands = 0 : i64, tpu.core_type = #tpu.core_type<tc>, window_params = [{transform_indices = @transform_0, window_bounds = array<i64: 256, 768>}, {transform_indices = @transform_1, window_bounds = array<i64: 1, 2048, 768>}, {transform_indices = @transform_2, window_bounds = array<i64: 1, 1, 2048>}, {transform_indices = @transform_3, window_bounds = array<i64: 1, 768, 2048>}, {transform_indices = @transform_4, window_bounds = array<i64: 1, 1, 768>}, {transform_indices = @transform_5, window_bounds = array<i64: 256, 768>}, {transform_indices = @transform_6, window_bounds = array<i64: 1, 1, 768>}]} {
    %get3A = arith.constant 24 : index
    %get3A_0 = memref.load %arg1[%get3A] : memref<25xi32, #tpu.memory_space<smem>>
    %lt3A = arith.cmpi slt, %arg0, %get3A_0 : i32
    %convert_element_type3A = arith.extui %lt3A : i1 to i32
    %cond3A = arith.constant 0 : i32
    %cond3A_1 = arith.cmpi ne, %convert_element_type3A, %cond3A : i32
    scf.if %cond3A_1 {
      %get3A_2 = arith.constant 0 : index
      %get3A_3 = arith.constant 0 : index
      %get3A_4 = arith.constant 0 : index
      %get3A_5 = vector.load %arg4[%get3A_2, %get3A_3, %get3A_4] : memref<1x1x2048xf32, #tpu.memory_space<vmem>>, vector<1x1x2048xf32>
      %get3A_6 = vector.shape_cast %get3A_5 : vector<1x1x2048xf32> to vector<1x2048xf32>
      %mul3A = arith.constant 5.000000e-01 : f32
      %mul3A_7 = vector.broadcast %mul3A : f32 to vector<1x2048xf32>
      %mul3A_8 = arith.mulf %mul3A_7, %get3A_6 : vector<1x2048xf32>
      %mul3A_9 = arith.constant 0.707106769 : f32
      %mul3A_10 = vector.broadcast %mul3A_9 : f32 to vector<1x2048xf32>
      %mul3A_11 = arith.mulf %get3A_6, %mul3A_10 : vector<1x2048xf32>
      %erf3A = math.erf %mul3A_11 : vector<1x2048xf32>
      %add3A = arith.constant 1.000000e+00 : f32
      %add3A_12 = vector.broadcast %add3A : f32 to vector<1x2048xf32>
      %add3A_13 = arith.addf %add3A_12, %erf3A : vector<1x2048xf32>
      %mul3A_14 = arith.mulf %mul3A_8, %add3A_13 : vector<1x2048xf32>
      %get3A_15 = arith.constant 0 : index
      %get3A_16 = arith.constant 0 : index
      %get3A_17 = vector.load %arg2[%get3A_15, %get3A_16] : memref<256x768xf32, #tpu.memory_space<vmem>>, vector<256x768xf32>
      %get3A_18 = arith.constant 0 : index
      %get3A_19 = arith.constant 0 : index
      %get3A_20 = arith.constant 0 : index
      %get3A_21 = vector.load %arg3[%get3A_18, %get3A_19, %get3A_20] : memref<1x2048x768xf32, #tpu.memory_space<vmem>>, vector<1x2048x768xf32>
      %get3A_22 = vector.shape_cast %get3A_21 : vector<1x2048x768xf32> to vector<2048x768xf32>
      %dot_general3A = arith.constant dense<0.000000e+00> : vector<256x2048xf32>
      %dot_general3A_23 = tpu.matmul %get3A_17, %get3A_22, %dot_general3A {dimension_numbers = #tpu.dot_dimension_numbers<[1], [1], [0], [0], [0, 0, 1, 0], [], []>, transpose_lhs_hint = false} : vector<256x768xf32>, vector<2048x768xf32>, vector<256x2048xf32> -> vector<256x2048xf32>
      %add3A_24 = vector.broadcast %get3A_6 : vector<1x2048xf32> to vector<256x2048xf32>
      %add3A_25 = arith.addf %dot_general3A_23, %add3A_24 : vector<256x2048xf32>
      %mul3A_26 = arith.constant 5.000000e-01 : f32
      %mul3A_27 = vector.broadcast %mul3A_26 : f32 to vector<256x2048xf32>
      %mul3A_28 = arith.mulf %mul3A_27, %add3A_25 : vector<256x2048xf32>
      %mul3A_29 = arith.constant 0.707106769 : f32
      %mul3A_30 = vector.broadcast %mul3A_29 : f32 to vector<256x2048xf32>
      %mul3A_31 = arith.mulf %add3A_25, %mul3A_30 : vector<256x2048xf32>
      %erf3A_32 = math.erf %mul3A_31 : vector<256x2048xf32>
      %add3A_33 = arith.constant 1.000000e+00 : f32
      %add3A_34 = vector.broadcast %add3A_33 : f32 to vector<256x2048xf32>
      %add3A_35 = arith.addf %add3A_34, %erf3A_32 : vector<256x2048xf32>
      %mul3A_36 = arith.mulf %mul3A_28, %add3A_35 : vector<256x2048xf32>
      %sub3A = vector.broadcast %mul3A_14 : vector<1x2048xf32> to vector<256x2048xf32>
      %sub3A_37 = arith.subf %mul3A_36, %sub3A : vector<256x2048xf32>
      %get3A_38 = arith.constant 0 : index
      %get3A_39 = arith.constant 0 : index
      %get3A_40 = arith.constant 0 : index
      %get3A_41 = vector.load %arg5[%get3A_38, %get3A_39, %get3A_40] : memref<1x768x2048xf32, #tpu.memory_space<vmem>>, vector<1x768x2048xf32>
      %get3A_42 = vector.shape_cast %get3A_41 : vector<1x768x2048xf32> to vector<768x2048xf32>
      %dot_general3A_43 = arith.constant dense<0.000000e+00> : vector<256x768xf32>
      %dot_general3A_44 = tpu.matmul %sub3A_37, %get3A_42, %dot_general3A_43 {dimension_numbers = #tpu.dot_dimension_numbers<[1], [1], [0], [0], [0, 0, 1, 0], [], []>, transpose_lhs_hint = false} : vector<256x2048xf32>, vector<768x2048xf32>, vector<256x768xf32> -> vector<256x768xf32>
      %swap3A = arith.constant 0 : index
      %swap3A_45 = arith.constant 0 : index
      %swap3A_46 = vector.load %arg7[%swap3A, %swap3A_45] : memref<256x768xf32, #tpu.memory_space<vmem>>, vector<256x768xf32>
      tpu.vector_store %arg7[%swap3A, %swap3A_45], %dot_general3A_44 {strides = array<i32>} : memref<256x768xf32, #tpu.memory_space<vmem>>, vector<256x768xf32>,
      %dot_general3A_47 = arith.constant dense<0.000000e+00> : vector<1x768xf32>
      %dot_general3A_48 = tpu.matmul %mul3A_14, %get3A_42, %dot_general3A_47 {dimension_numbers = #tpu.dot_dimension_numbers<[1], [1], [0], [0], [0, 0, 1, 0], [], []>, transpose_lhs_hint = false} : vector<1x2048xf32>, vector<768x2048xf32>, vector<1x768xf32> -> vector<1x768xf32>
      %get3A_49 = arith.constant 0 : index
      %get3A_50 = arith.constant 0 : index
      %get3A_51 = arith.constant 0 : index
      %get3A_52 = vector.load %arg6[%get3A_49, %get3A_50, %get3A_51] : memref<1x1x768xf32, #tpu.memory_space<vmem>>, vector<1x1x768xf32>
      %get3A_53 = vector.shape_cast %get3A_52 : vector<1x1x768xf32> to vector<1x768xf32>
      %add3A_54 = arith.addf %dot_general3A_48, %get3A_53 : vector<1x768xf32>
      %swap3A_55 = arith.constant 0 : index
      %swap3A_56 = arith.constant 0 : index
      %swap3A_57 = arith.constant 0 : index
      %swap3A_58 = vector.load %arg8[%swap3A_55, %swap3A_56, %swap3A_57] : memref<1x1x768xf32, #tpu.memory_space<vmem>>, vector<1x1x768xf32>
      %swap3A_59 = vector.shape_cast %swap3A_58 : vector<1x1x768xf32> to vector<1x768xf32>
      %swap3A_60 = vector.shape_cast %add3A_54 : vector<1x768xf32> to vector<1x1x768xf32>
      tpu.vector_store %arg8[%swap3A_55, %swap3A_56, %swap3A_57], %swap3A_60 {strides = array<i32>} : memref<1x1x768xf32, #tpu.memory_space<vmem>>, vector<1x1x768xf32>,
    } else {
    }
    return
  }
  func.func @transform_0(%arg0: i32, %arg1: memref<25xi32, #tpu.memory_space<smem>>) -> (i32, i32) {
    %c0_i32 = arith.constant 0 : i32
    %c0_i32_0 = arith.constant 0 : i32
    return %arg0, %c0_i32 : i32, i32
  }
  func.func @transform_1(%arg0: i32, %arg1: memref<25xi32, #tpu.memory_space<smem>>) -> (i32, i32, i32) {
    %get3A = arith.index_cast %arg0 : i32 to index
    %get3A_0 = memref.load %arg1[%get3A] : memref<25xi32, #tpu.memory_space<smem>>
    %c0_i32 = arith.constant 0 : i32
    %c0_i32_1 = arith.constant 0 : i32
    %c0_i32_2 = arith.constant 0 : i32
    return %get3A_0, %c0_i32, %c0_i32_1 : i32, i32, i32
  }
  func.func @transform_2(%arg0: i32, %arg1: memref<25xi32, #tpu.memory_space<smem>>) -> (i32, i32, i32) {
    %get3A = arith.index_cast %arg0 : i32 to index
    %get3A_0 = memref.load %arg1[%get3A] : memref<25xi32, #tpu.memory_space<smem>>
    %c0_i32 = arith.constant 0 : i32
    %c0_i32_1 = arith.constant 0 : i32
    %c0_i32_2 = arith.constant 0 : i32
    return %get3A_0, %c0_i32, %c0_i32_1 : i32, i32, i32
  }
  func.func @transform_3(%arg0: i32, %arg1: memref<25xi32, #tpu.memory_space<smem>>) -> (i32, i32, i32) {
    %get3A = arith.index_cast %arg0 : i32 to index
    %get3A_0 = memref.load %arg1[%get3A] : memref<25xi32, #tpu.memory_space<smem>>
    %c0_i32 = arith.constant 0 : i32
    %c0_i32_1 = arith.constant 0 : i32
    %c0_i32_2 = arith.constant 0 : i32
    return %get3A_0, %c0_i32, %c0_i32_1 : i32, i32, i32
  }
  func.func @transform_4(%arg0: i32, %arg1: memref<25xi32, #tpu.memory_space<smem>>) -> (i32, i32, i32) {
    %get3A = arith.index_cast %arg0 : i32 to index
    %get3A_0 = memref.load %arg1[%get3A] : memref<25xi32, #tpu.memory_space<smem>>
    %c0_i32 = arith.constant 0 : i32
    %c0_i32_1 = arith.constant 0 : i32
    %c0_i32_2 = arith.constant 0 : i32
    return %get3A_0, %c0_i32, %c0_i32_1 : i32, i32, i32
  }
  func.func @transform_5(%arg0: i32, %arg1: memref<25xi32, #tpu.memory_space<smem>>) -> (i32, i32) {
    %c0_i32 = arith.constant 0 : i32
    %c0_i32_0 = arith.constant 0 : i32
    return %arg0, %c0_i32 : i32, i32
  }
  func.func @transform_6(%arg0: i32, %arg1: memref<25xi32, #tpu.memory_space<smem>>) -> (i32, i32, i32) {
    %get3A = arith.index_cast %arg0 : i32 to index
    %get3A_0 = memref.load %arg1[%get3A] : memref<25xi32, #tpu.memory_space<smem>>
    %c0_i32 = arith.constant 0 : i32
    %c0_i32_1 = arith.constant 0 : i32
    %c0_i32_2 = arith.constant 0 : i32
    return %get3A_0, %c0_i32, %c0_i32_1 : i32, i32, i32
  }
}

module attributes {stable_mosaic.version = 14 : i64} {
  func.func @_combine_kernel(%arg0: memref<2048x768xf32, #tpu.memory_space<vmem>>, %arg1: memref<2x2048x768xf32, #tpu.memory_space<vmem>>, %arg2: memref<2048x2xf32, #tpu.memory_space<vmem>>, %arg3: memref<8x1x768xf32, #tpu.memory_space<vmem>>, %arg4: memref<1x768xf32, #tpu.memory_space<vmem>>, %arg5: memref<1x768xf32, #tpu.memory_space<vmem>>, %arg6: memref<2048x768xf32, #tpu.memory_space<vmem>>) attributes {dimension_semantics = [], scalar_prefetch = 0 : i64, scratch_operands = 0 : i64, tpu.core_type = #tpu.core_type<tc>} {
    %get3A = arith.constant 0 : index
    %get3A_0 = arith.constant 0 : index
    %get3A_1 = vector.load %arg2[%get3A, %get3A_0] : memref<2048x2xf32, #tpu.memory_space<vmem>>, vector<2048x1xf32>
    %get3A_2 = arith.constant 0 : index
    %get3A_3 = arith.constant 1 : index
    %get3A_4 = vector.load %arg2[%get3A_2, %get3A_3] : memref<2048x2xf32, #tpu.memory_space<vmem>>, vector<2048x1xf32>
    %get3A_5 = arith.constant 0 : index
    %get3A_6 = arith.constant 0 : index
    %get3A_7 = arith.constant 0 : index
    %get3A_8 = vector.load %arg3[%get3A_5, %get3A_6, %get3A_7] : memref<8x1x768xf32, #tpu.memory_space<vmem>>, vector<8x1x768xf32>
    %get3A_9 = vector.shape_cast %get3A_8 : vector<8x1x768xf32> to vector<8x768xf32>
    %reduce_sum3A = arith.constant dense<0.000000e+00> : vector<768xf32>
    %reduce_sum3A_10 = vector.multi_reduction <add>, %get3A_9, %reduce_sum3A [0] : vector<8x768xf32> to vector<768xf32>
    %broadcast_in_dim3A = vector.shape_cast %reduce_sum3A_10 : vector<768xf32> to vector<1x768xf32>
    %get3A_11 = arith.constant 0 : index
    %get3A_12 = arith.constant 0 : index
    %get3A_13 = vector.load %arg0[%get3A_11, %get3A_12] : memref<2048x768xf32, #tpu.memory_space<vmem>>, vector<2048x768xf32>
    %get3A_14 = arith.constant 0 : index
    %get3A_15 = arith.constant 0 : index
    %get3A_16 = arith.constant 0 : index
    %get3A_17 = vector.load %arg1[%get3A_14, %get3A_15, %get3A_16] : memref<2x2048x768xf32, #tpu.memory_space<vmem>>, vector<1x2048x768xf32>
    %get3A_18 = vector.shape_cast %get3A_17 : vector<1x2048x768xf32> to vector<2048x768xf32>
    %mul3A = vector.broadcast %get3A_1 : vector<2048x1xf32> to vector<2048x768xf32>
    %mul3A_19 = arith.mulf %mul3A, %get3A_18 : vector<2048x768xf32>
    %add3A = arith.addf %get3A_13, %mul3A_19 : vector<2048x768xf32>
    %get3A_20 = arith.constant 1 : index
    %get3A_21 = arith.constant 0 : index
    %get3A_22 = arith.constant 0 : index
    %get3A_23 = vector.load %arg1[%get3A_20, %get3A_21, %get3A_22] : memref<2x2048x768xf32, #tpu.memory_space<vmem>>, vector<1x2048x768xf32>
    %get3A_24 = vector.shape_cast %get3A_23 : vector<1x2048x768xf32> to vector<2048x768xf32>
    %mul3A_25 = vector.broadcast %get3A_4 : vector<2048x1xf32> to vector<2048x768xf32>
    %mul3A_26 = arith.mulf %mul3A_25, %get3A_24 : vector<2048x768xf32>
    %add3A_27 = arith.addf %add3A, %mul3A_26 : vector<2048x768xf32>
    %add3A_28 = arith.addf %get3A_1, %get3A_4 : vector<2048x1xf32>
    %mul3A_29 = vector.broadcast %add3A_28 : vector<2048x1xf32> to vector<2048x768xf32>
    %mul3A_30 = vector.broadcast %broadcast_in_dim3A : vector<1x768xf32> to vector<2048x768xf32>
    %mul3A_31 = arith.mulf %mul3A_29, %mul3A_30 : vector<2048x768xf32>
    %add3A_32 = arith.addf %add3A_27, %mul3A_31 : vector<2048x768xf32>
    %reduce_sum3A_33 = arith.constant dense<0.000000e+00> : vector<2048xf32>
    %reduce_sum3A_34 = vector.multi_reduction <add>, %add3A_32, %reduce_sum3A_33 [1] : vector<2048x768xf32> to vector<2048xf32>
    %broadcast_in_dim3A_35 = vector.shape_cast %reduce_sum3A_34 : vector<2048xf32> to vector<2048x1xf32>
    %div3A = arith.constant 7.680000e+02 : f32
    %div3A_36 = vector.broadcast %div3A : f32 to vector<2048x1xf32>
    %div3A_37 = arith.divf %broadcast_in_dim3A_35, %div3A_36 : vector<2048x1xf32>
    %sub3A = vector.broadcast %div3A_37 : vector<2048x1xf32> to vector<2048x768xf32>
    %sub3A_38 = arith.subf %add3A_32, %sub3A : vector<2048x768xf32>
    %mul3A_39 = arith.mulf %sub3A_38, %sub3A_38 : vector<2048x768xf32>
    %reduce_sum3A_40 = arith.constant dense<0.000000e+00> : vector<2048xf32>
    %reduce_sum3A_41 = vector.multi_reduction <add>, %mul3A_39, %reduce_sum3A_40 [1] : vector<2048x768xf32> to vector<2048xf32>
    %broadcast_in_dim3A_42 = vector.shape_cast %reduce_sum3A_41 : vector<2048xf32> to vector<2048x1xf32>
    %div3A_43 = arith.constant 7.680000e+02 : f32
    %div3A_44 = vector.broadcast %div3A_43 : f32 to vector<2048x1xf32>
    %div3A_45 = arith.divf %broadcast_in_dim3A_42, %div3A_44 : vector<2048x1xf32>
    %add3A_46 = arith.constant 9.99999974E-6 : f32
    %add3A_47 = vector.broadcast %add3A_46 : f32 to vector<2048x1xf32>
    %add3A_48 = arith.addf %div3A_45, %add3A_47 : vector<2048x1xf32>
    %rsqrt3A = math.rsqrt %add3A_48 : vector<2048x1xf32>
    %mul3A_49 = vector.broadcast %rsqrt3A : vector<2048x1xf32> to vector<2048x768xf32>
    %mul3A_50 = arith.mulf %sub3A_38, %mul3A_49 : vector<2048x768xf32>
    %get3A_51 = arith.constant 0 : index
    %get3A_52 = arith.constant 0 : index
    %get3A_53 = vector.load %arg4[%get3A_51, %get3A_52] : memref<1x768xf32, #tpu.memory_space<vmem>>, vector<1x768xf32>
    %mul3A_54 = vector.broadcast %get3A_53 : vector<1x768xf32> to vector<2048x768xf32>
    %mul3A_55 = arith.mulf %mul3A_50, %mul3A_54 : vector<2048x768xf32>
    %get3A_56 = arith.constant 0 : index
    %get3A_57 = arith.constant 0 : index
    %get3A_58 = vector.load %arg5[%get3A_56, %get3A_57] : memref<1x768xf32, #tpu.memory_space<vmem>>, vector<1x768xf32>
    %add3A_59 = vector.broadcast %get3A_58 : vector<1x768xf32> to vector<2048x768xf32>
    %add3A_60 = arith.addf %mul3A_55, %add3A_59 : vector<2048x768xf32>
    %swap3A = arith.constant 0 : index
    %swap3A_61 = arith.constant 0 : index
    %swap3A_62 = vector.load %arg6[%swap3A, %swap3A_61] : memref<2048x768xf32, #tpu.memory_space<vmem>>, vector<2048x768xf32>
    tpu.vector_store %arg6[%swap3A, %swap3A_61], %add3A_60 {strides = array<i32>} : memref<2048x768xf32, #tpu.memory_space<vmem>>, vector<2048x768xf32>,
    return
  }
}

</mosaic_0001>

<sc_bundles>
// kernel: kernel.12.cloned.1.call-start
scs
__scs_entry_jumppad:
0x0: {  	(pc) =	sbr.rel $0x88, $3  }
0x1: {  	(tag) =	ssettag $0x0;
	lr =	simm.s32 $0x1  }
0x2: {  	[smem:$0x3F92] =	sst lr;
	_ =	strace $0xD0000000  }
0x3: {  	_ = 	snop  }
0x4: {  	_ = 	snop  }
0x5: {  	_ = 	snop  }
0x6: {  	_ = 	snop  }
0x7: {  	_ = 	snop  }
__scs_overlays_trampoline_lowered:
0x8: {  	[smem:$0x3FA1] =	sst s0  }
0x9: {  	[smem:$0x3FA2] =	sst s1  }
0xa: {  	[smem:$0x3FA3] =	sst s2  }
0xb: {  	[smem:$0x3FA4] =	sst s3  }
0xc: {  	[smem:$0x3FA5] =	sst s4  }
0xd: {  	[smem:$0x3FA6] =	sst s5  }
0xe: {  	[smem:$0x3FA7] =	sst s6  }
0xf: {  	[smem:$0x3FA8] =	sst s7  }
0x10: {  	[smem:$0x3FA9] =	sst s8  }
0x11: {  	[smem:$0x3FAA] =	sst s9;
	s0 =	simm.s32 @!p0 $0x0  }
0x12: {  	s1 =	sld [smem:$0x3F90];
	s0 =	simm.s32 @p0 $0x1  }
0x13: {  	[smem:$0x3FAB] =	sst s0;
	s0 =	simm.s32 @!p1 $0x0  }
0x14: {  	s2 =	sld [smem:$0x3F8F];
	s0 =	simm.s32 @p1 $0x1  }
0x15: {  	[smem:$0x3FAC] =	sst s0;
	s0 =	simm.s32 @!p2 $0x0  }
0x16: {  	s3 =	sld [smem:$0x3FDB];
	s0 =	simm.s32 @p2 $0x1  }
0x17: {  	s4 =	simm.s32 $0x1BF5;
	[smem:$0x3FAE] =	sst s0  }
0x18: {  	s0 =	sld [smem:$0x3F91];
	_ =	swait.ge [sflag:s4], $0x0  }
0x19: {  	s7 =	sld [smem:$0x3F92]  }
0x1a: {  	s8 =	sadd.s32 $0xFFFFE003, lr  }
0x1b: {  	s9 =	sadd.s32 $0xFFFFFEF7, lr;
	s5 =	simm.s32 $0xFFFFFFFF;
	p2 =	slt.u32 s8, $0xFFFFF086  }
0x1c: {  	p1 =	slt.u32 s9, $0xF7A;
	s5 =	simm.s32 @!p2 $0x0  }
0x1d: {  	s5 =	simm.s32 @p1 $0x1;
	p0 =	seq.s32 s7, s2  }
0x1e: {  	s7 =	smul.u32 @!p0 $0xF7A, s2;
	p2 =	seq.s32 @!p0 s5, $0x0  }
0x1f: {  	s9 =	smul.u32 $0xF7A, s1;
	s8 =	simm.s32 @!p0 $0x1BF5;
	p2 =	por !p2, p0  }
0x20: {  	[sflag:s8] =	ssyncset.s32 @!p0 $0xFFFFF086;
	s6 =	sadd.s32 @!p0 s3, s7;
	s7 =	simm.s32 @!p0 $0x108  }
0x21: {  	s3 =	sadd.s32 s3, s9;
	s6 =	sadd.s32 @!p0 $0x88, s6;
	s7 =	simm.s32 @p2 $0x1082  }
0x22: {  	[simem:s7], [sflag:s8] =	dma.local @!p0 [hbm:s6], $0xF7A  }
0x23: {  	s9 =	sor.u32 $0xD0000000, s2;
	s6 =	simm.s32 $0x108;
	_ =	swait.ge @!p0 [sflag:s8], $0x0  }
0x24: {  	s3 =	sadd.s32 $0x88, s3;
	s6 =	simm.s32 @!p1 $0x1082;
	[sflag:s4] =	ssyncset.s32 $0xFFFFF086  }
0x25: {  	[simem:s6], [sflag:s4] =	dma.local [hbm:s3], $0xF7A  }
0x26: {  	[smem:$0x3F92] =	sst s1;
	(tag) =	ssettag s2;
	_ =	strace s9  }
0x27: {  	s1 =	sld [smem:$0x3FA2]  }
0x28: {  	s2 =	sld [smem:$0x3FA3]  }
0x29: {  	s4 =	sld [smem:$0x3FA5]  }
0x2a: {  	p0 =	seq.s32 s5, $0x0;
	s5 =	sld [smem:$0x3FA6]  }
0x2b: {  	s6 =	sld [smem:$0x3FA7]  }
0x2c: {  	s7 =	sld [smem:$0x3FA8]  }
0x2d: {  	s3 =	simm.s32 $0x108;
	s8 =	sld [smem:$0x3FA9]  }
0x2e: {  	s3 =	simm.s32 @!p0 $0x1082;
	s9 =	sld [smem:$0x3FAA]  }
0x2f: {  	lr =	sadd.s32 s0, s3;
	s0 =	sld [smem:$0x3FA1]  }
0x30: {  	s3 =	sld [smem:$0x3FA4]  }
0x31: {  	[smem:$0x3FAD] =	sst s10  }
0x32: {  	s10 =	sld [smem:$0x3FAB];
	_ =	sdelay $0x3  }
0x33: {  	p0 =	seq.s32 s10, $0x1;
	s10 =	sld [smem:$0x3FAD];
	_ =	sdelay $0x3  }
0x34: {  	[smem:$0x3FAD] =	sst s10  }
0x35: {  	s10 =	sld [smem:$0x3FAC];
	_ =	sdelay $0x3  }
0x36: {  	p1 =	seq.s32 s10, $0x1;
	s10 =	sld [smem:$0x3FAD];
	_ =	sdelay $0x3  }
0x37: {  	[smem:$0x3FAD] =	sst s10  }
0x38: {  	s10 =	sld [smem:$0x3FAE]  }
0x39: {  	_ = 	snop;
	(pc) =	sbr.ind lr, $3  }
0x3a: {  	_ = 	snop  }
0x3b: {  	_ = 	snop  }
0x3c: {  	p2 =	seq.s32 s10, $0x1;
	s10 =	sld [smem:$0x3FAD]  }
0x3d: {  	_ =	shalt  }
0x3e: {  	_ =	shalt  }
0x3f: {  	_ =	shalt  }
0x40: {  	_ =	shalt  }
0x41: {  	_ =	shalt  }
0x42: {  	_ =	shalt  }
0x43: {  	_ =	shalt  }
0x44: {  	_ =	shalt  }
0x45: {  	_ =	shalt  }
0x46: {  	_ =	shalt  }
0x47: {  	_ =	shalt  }
0x48: {  	_ =	shalt  }
0x49: {  	_ =	shalt  }
0x4a: {  	_ =	shalt  }
0x4b: {  	_ =	shalt  }
0x4c: {  	_ =	shalt  }
0x4d: {  	_ =	shalt  }
0x4e: {  	_ =	shalt  }
0x4f: {  	_ =	shalt  }
0x50: {  	_ =	shalt  }
0x51: {  	_ =	shalt  }
0x52: {  	_ =	shalt  }
0x53: {  	_ =	shalt  }
0x54: {  	_ =	shalt  }
0x55: {  	_ =	shalt  }
0x56: {  	_ =	shalt  }
0x57: {  	_ =	shalt  }
0x58: {  	_ =	shalt  }
0x59: {  	_ =	shalt  }
0x5a: {  	_ =	shalt  }
0x5b: {  	_ =	shalt  }
0x5c: {  	_ =	shalt  }
0x5d: {  	_ =	shalt  }
0x5e: {  	_ =	shalt  }
0x5f: {  	_ =	shalt  }
0x60: {  	_ =	shalt  }
0x61: {  	_ =	shalt  }
0x62: {  	_ =	shalt  }
0x63: {  	_ =	shalt  }
0x64: {  	_ =	shalt  }
0x65: {  	_ =	shalt  }
0x66: {  	_ =	shalt  }
0x67: {  	_ =	shalt  }
0x68: {  	_ =	shalt  }
0x69: {  	_ =	shalt  }
0x6a: {  	_ =	shalt  }
0x6b: {  	_ =	shalt  }
0x6c: {  	_ =	shalt  }
0x6d: {  	_ =	shalt  }
0x6e: {  	_ =	shalt  }
0x6f: {  	_ =	shalt  }
0x70: {  	_ =	shalt  }
0x71: {  	_ =	shalt  }
0x72: {  	_ =	shalt  }
0x73: {  	_ =	shalt  }
0x74: {  	_ =	shalt  }
0x75: {  	_ =	shalt  }
0x76: {  	_ =	shalt  }
0x77: {  	_ =	shalt  }
0x78: {  	_ =	shalt  }
0x79: {  	_ =	shalt  }
0x7a: {  	_ =	shalt  }
0x7b: {  	_ =	shalt  }
0x7c: {  	_ =	shalt  }
0x7d: {  	_ =	shalt  }
0x7e: {  	_ =	shalt  }
0x7f: {  	_ =	shalt  }
0x80: {  	_ =	shalt  }
0x81: {  	_ =	shalt  }
0x82: {  	_ =	shalt  }
0x83: {  	_ =	shalt  }
0x84: {  	_ =	shalt  }
0x85: {  	_ =	shalt  }
0x86: {  	_ =	shalt  }
0x87: {  	_ =	shalt  }
.Lfunc_end0:
.L_simem_size_0:
called_computation.1_lowered:
.L_overlay_start_0:
0x88: {  	s2 =	sld [smem:$0x3FD9]  }
0x89: {  	s3 =	sld [smem:$0x3FFE];
	_ =	sdelay $0x1  }
0x8a: {  	s1 =	srdreg.scid  }
0x8b: {  	s0 =	sand.u32 $0x1, s1  }
0x8c: {  	s16 =	sshll.u32 s0, $0xA;
	s2 =	sadd.s32 s3, s2  }
0x8d: {  	s2 =	sadd.s32 s2, s16  }
0x8e: {  	[smem:$0x3FB9] =	sst s2  }
0x8f: {  	_ = 	snop  }
0x90: {  	(tm) =	ssettm $0x1  }
0x91: {  	s17 =	sld [smem:$0x3FFB];
	_ =	sdelay $0x3  }
0x92: {  	_ =	strace s17  }
0x93: {  	s2 =	sld [smem:$0x3FFC];
	_ =	sdelay $0x3  }
0x94: {  	_ =	strace s2  }
0x95: {  	s2 =	sld [smem:$0x3FFD];
	_ =	sdelay $0x3  }
0x96: {  	_ =	strace s2  }
0x97: {  	_ =	strace $0x8FFFFFFF  }
0x98: {  	s18 =	sld [smem:$0x3FDB];
	_ =	sdelay $0x1  }
0x99: {  	s19 =	simm.s32 $_scs_section_size  }
0x9a: {  	s4 =	simm.s32 $_size__tile_overlayer_lowered;
	s5 =	simm.s32 $_tile_overlayer_lowered  }
0x9b: {  	s22 =	simm.s32 $0x1BFF;
	s21 =	sshll.u32 s5, $0x1;
	s2 =	sadd.s32 s19, s18  }
0x9c: {  	s6 =	simm.s32 $0x0;
	s20 =	sshll.u32 s4, $0x1;
	s4 =	sadd.s32 s21, s2  }
0x9d: {  	[timem:s6], [sflag:s22] =	dma.local [hbm:s4], s20  }
0x9e: {  	_ =	swait.ge [sflag:s22], s20  }
0x9f: {  	s3 =	ssub.s32 $0x0, s20;
	[sflag:s22] =	ssyncset.done $0x0  }
0xa0: {  	[sflag:s22] =	ssyncadd.s32 s3;
	_ =	sdelay $0x1  }
0xa1: {  	s23 =	simm.s32 $0x1B8B  }
0xa2: {  	_ =	swait.ge [sflag:s23], $0x1  }
0xa3: {  	[sflag:s23] =	ssyncset.done $0x0  }
0xa4: {  	s25 =	simm.s32 $0x1B8E;
	s24 =	sld [smem:$0x3FFE];
	[sflag:s23] =	ssyncadd.s32 $0xFFFFFFFF  }
0xa5: {  	s26 =	simm.s32 $execute0_lowered;
	[smem:$0x3FD2] =	sst s25  }
0xa6: {  	s4 =	sshll.u32 s26, $0x1;
	_ =	strace $0x80000049;
	[dreg:$0x1] =	wrdreg $0xFFFFFFFF  }
0xa7: {  	s28 =	simm.s32 $_size_execute0_lowered;
	s2 =	sadd.s32 s2, s4;
	[dreg:$0x0] =	wrdreg $0x0  }
0xa8: {  	s4 =	sshll.u32 s28, $0x1;
	[dreg:$0x2] =	wrdreg s2  }
0xa9: {  	[dreg:$0x3] =	wrdreg s4  }
0xaa: {  	[dreg:$0x4] =	wrdreg $0xC0  }
0xab: {  	_ =	task [dreg:s6], $0x5FFFF  }
0xac: {  	[dreg:$0x1] =	wrdreg $0xFFFFFFFF  }
0xad: {  	[dreg:$0x0] =	wrdreg $0x60  }
0xae: {  	[dreg:$0x2] =	wrdreg s24  }
0xaf: {  	[dreg:$0x3] =	wrdreg $0x9  }
0xb0: {  	_ =	task.clear_ibuf [dreg:s6], $0x4FFFF;
	_ =	strace $0x90000049  }
0xb1: {  	s29 =	simm.s32 $0x9;
	_ =	strace $0x8000004B  }
0xb2: {  	_ =	swait.ge [sflag:s29], $0x1  }
0xb3: {  	[sflag:s29] =	ssyncadd.s32 $0xFFFFFFFF  }
0xb4: {  	_ =	strace $0x9000004B  }
0xb5: {  	_ =	sfence  }
0xb6: {  	s30 =	sld [smem:$0x0];
	_ =	sdelay $0x2  }
0xb7: {  	s31 =	sshll.u32 s1, $0xD;
	s1 =	sshrl.u32 s1, $0x2  }
0xb8: {  	s3 =	sand.u32 $0x4000, s31;
	s1 =	sadd.s32 s1, s30  }
0xb9: {  	s0 =	sor.u32 s3, s0;
	s1 =	sshll.u32 s1, $0x11  }
0xba: {  	s0 =	sor.u32 s1, s0  }
0xbb: {  	s0 =	sadd.s32 $0x8F2B, s0  }
0xbc: {  	[sflag:s0] =	ssyncadd.remote.s32 $0x1  }
0xbd: {  	_ =	sfence.sel $0xFFFF  }
0xbe: {  	[dreg:$0x0] =	wrdreg $0xFFFFFFFF;
	(pc) =	sbr.abs _section_cstart, $3  }
0xbf: {  	[dreg:$0x1] =	wrdreg $0xFFFFFFFF  }
0xc0: {  	_ =	task.clear_ibuf [dreg:s6], $0x2FFFF;
	_ =	strace $0x9FFFFFFF  }
0xc1: {  	(tm) =	ssettm $0x7FFFFFFF  }
tec
execute0_lowered:
.L_overlay_start_1:
0x0: {  	(tag) =	ssettag $0x1  }
0x1: {  	s1 =	srdreg.scid  }
0x2: {  	s0 =	stileid.u32;
	s1 =	sand.u32 $0x1, s1  }
0x3: {  	s2 =	sshll.u32 s0, $0x5;
	s3 =	sshll.u32 s1, $0x4  }
0x4: {  	s5 =	rddreg [dreg:$0x0];
	s3 =	sor.u32 s3, s2;
	s2 =	simm.s32 $0x0  }
0x5: {  	s26 =	simm.s32 $0x880;
	[smem:$0x7FF] =	sst s2  }
0x6: {  	s0 =	simm.s32 $0x1080;
	_ =	strace $0x8000004A;
	[dreg:$0x4] =	wrdreg s26  }
0x7: {  	s6 =	simm.s32 $0x2080;
	[dreg:$0x5] =	wrdreg s0  }
0x8: {  	s7 =	simm.s32 $0x2880;
	[dreg:$0x7] =	wrdreg s6  }
0x9: {  	s8 =	simm.s32 $0x3080;
	[dreg:$0x8] =	wrdreg s7  }
0xa: {  	s9 =	simm.s32 $0x3880;
	[dreg:$0x9] =	wrdreg s8  }
0xb: {  	s10 =	simm.s32 $0x4080;
	[dreg:$0xa] =	wrdreg s9  }
0xc: {  	s11 =	simm.s32 $0x4880;
	[dreg:$0xb] =	wrdreg s10  }
0xd: {  	s12 =	simm.s32 $0x5080;
	[dreg:$0xc] =	wrdreg s11  }
0xe: {  	s13 =	simm.s32 $0x5880;
	[dreg:$0xd] =	wrdreg s12  }
0xf: {  	s14 =	simm.s32 $0x6080;
	[dreg:$0xe] =	wrdreg s13  }
0x10: {  	s15 =	simm.s32 $0x6880;
	[dreg:$0xf] =	wrdreg s14  }
0x11: {  	s16 =	simm.s32 $0x7080;
	[dreg:$0x10] =	wrdreg s15  }
0x12: {  	s17 =	simm.s32 $0x7880;
	s18 =	simm.s32 $0x8080;
	[dreg:$0x11] =	wrdreg s16  }
0x13: {  	s19 =	simm.s32 $0x8880;
	s20 =	simm.s32 $0x9080;
	[dreg:$0x12] =	wrdreg s17  }
0x14: {  	s21 =	simm.s32 $0x9880;
	s22 =	simm.s32 $0xA080;
	[dreg:$0x13] =	wrdreg s18  }
0x15: {  	s23 =	simm.s32 $0xA880;
	s24 =	simm.s32 $0xB880;
	[dreg:$0x14] =	wrdreg s19  }
0x16: {  	s28 =	simm.s32 $0x16080;
	s29 =	simm.s32 $0x16880;
	[dreg:$0x15] =	wrdreg s20  }
0x17: {  	s30 =	simm.s32 $0x17080;
	s31 =	simm.s32 $0x17880;
	[dreg:$0x16] =	wrdreg s21  }
0x18: {  	s4 =	smul.u32 $0x300, s3;
	s3 =	sadd.s32 s3, s5;
	[dreg:$0x17] =	wrdreg s22  }
0x19: {  	s1 =	ssub.s32 $0x2, s1;
	s3 =	sadd.s32 $0x3200, s3;
	[dreg:$0x18] =	wrdreg s23  }
0x1a: {  	s6 =	sshrl.u32 s1, $0x1;
	s7 =	simm.s32 $0xB080;
	[dreg:$0x1a] =	wrdreg s24  }
0x1b: {  	s8 =	simm.s32 $0x80;
	s26 =	simm.s32 $0xC880;
	s10 =	simm.s32 $0xD880  }
0x1c: {  	s11 =	simm.s32 $0xE080;
	s12 =	simm.s32 $0xE880;
	s13 =	simm.s32 $0xF080  }
0x1d: {  	s14 =	simm.s32 $0xF880;
	s15 =	simm.s32 $0x10080;
	s16 =	simm.s32 $0x10880  }
0x1e: {  	s17 =	simm.s32 $0x11080;
	s18 =	simm.s32 $0x11880;
	s19 =	simm.s32 $0x12080  }
0x1f: {  	s20 =	simm.s32 $0x12880;
	s21 =	simm.s32 $0x13080;
	s22 =	simm.s32 $0x13880  }
0x20: {  	s23 =	simm.s32 $0x14080;
	s24 =	simm.s32 $0x14880;
	[dreg:$0x2] =	wrdreg s3  }
0x21: {  	s4 =	sadd.s32 s4, s5;
	s3 =	sadd.s32 $0x3400, s5;
	[dreg:$0x19] =	wrdreg s7  }
0x22: {  	s1 =	ssub.s32 s1, s6;
	s7 =	simm.s32 $0x2;
	[dreg:$0x1c] =	wrdreg s26  }
0x23: {  	s26 =	simm.s32 $0x15880;
	s25 =	sadd.s32 $0x93400, s4;
	s4 =	simm.s32 $0x1880  }
0x24: {  	v2 =	vlaneseq.u32;
	s6 =	smax.u32 s1, $0x1;
	s1 =	simm.s32 $0x1;
	[dreg:$0x3] =	wrdreg s25  }
0x25: {  	vm0 =	vmmov $0xffff;
	v1 =	vshrl.u32 v2, $0x3;
	[dreg:$0x6] =	wrdreg s4;
	s4 =	sadd.s32 $0x3500, s5;
	s25 =	simm.s32 $0xC080  }
0x26: {  	v0 =	vand.u32 $0x7, v2;
	v2 =	vor.u32 $0x8, v2;
	v1 =	vmul.u32 $0x8, v1;
	s5 =	sadd.s32 $0x3600, s5;
	[dreg:$0x1b] =	wrdreg s25;
	s25 =	simm.s32 $0x15080  }
.LBB2_1:
0x27: {  	s0 =	rddreg [dreg:$0x2]  }
0x28: {  	[tilespmem:s2], [sflag:$0x2] =	stream.linear.gather [hbm4b:s0+s2], $0x80, $0x38;
	[tilespmem:$0x18080] =	vst v63  }
0x29: {  	_ =	swait.ge [sflag:s7], $0x80  }
0x2a: {  	[sflag:s7] =	ssyncset.done $0x0  }
0x2b: {  	[sflag:s7] =	ssyncadd.s32 $0xFFFFFF80  }
0x2c: {  	v3 =	vld [tilespmem:$0x0];
	_ =	sdelay $0x4  }
0x2d: {  	v4 =	vshrl.u32 v3, $0x3  }
0x2e: {  	v4 =	vmul.u32 $0x30, v4  }
0x2f: {  	v3 =	vand.u32 $0x7, v3  }
0x30: {  	v3 =	vor.u32 v3, v4  }
0x31: {  	v4 =	vperm.xlane v3, v0;
	_ =	sdelay $0x1  }
0x32: {  	v4 =	vadd.s32 v1, v4;
	_ =	sdelay $0x3  }
0x33: {  	v3 =	vperm.xlane v3, v2  }
0x34: {  	[tilespmem:s8], [sflag:$0x1] =	stream.indirect_vreg.gather [hbm4b:s3+s2], $0x80, v4, vm0, $0xb8;
	[tilespmem:$0x18080] =	vst v63  }
0x35: {  	s0 =	rddreg [dreg:$0x4];
	v3 =	vadd.s32 v1, v3  }
0x36: {  	[tilespmem:s0], [sflag:$0x1] =	stream.indirect_vreg.gather [hbm4b:s4+s2], $0x80, v4, vm0, $0xb8;
	[tilespmem:$0x18080] =	vst v63  }
0x37: {  	s9 =	rddreg [dreg:$0x5]  }
0x38: {  	[tilespmem:s9], [sflag:$0x1] =	stream.indirect_vreg.gather [hbm4b:s5+s2], $0x80, v4, vm0, $0xb8;
	[tilespmem:$0x18080] =	vst v63  }
0x39: {  	s0 =	rddreg [dreg:$0x6]  }
0x3a: {  	[tilespmem:s0], [sflag:$0x1] =	stream.indirect_vreg.gather [hbm4b:s3+s2], $0x80, v3, vm0, $0xb8;
	[tilespmem:$0x18080] =	vst v63  }
0x3b: {  	s9 =	rddreg [dreg:$0x7]  }
0x3c: {  	[tilespmem:s9], [sflag:$0x1] =	stream.indirect_vreg.gather [hbm4b:s4+s2], $0x80, v3, vm0, $0xb8;
	[tilespmem:$0x18080] =	vst v63  }
0x3d: {  	s0 =	rddreg [dreg:$0x8]  }
0x3e: {  	[tilespmem:s0], [sflag:$0x1] =	stream.indirect_vreg.gather [hbm4b:s5+s2], $0x80, v3, vm0, $0xb8;
	[tilespmem:$0x18080] =	vst v63  }
0x3f: {  	v3 =	vld [tilespmem:$0x10];
	_ =	sdelay $0x4  }
0x40: {  	v57 =	vshrl.u32 v3, $0x3  }
0x41: {  	v4 =	vmul.u32 $0x30, v57  }
0x42: {  	v3 =	vand.u32 $0x7, v3  }
0x43: {  	v3 =	vor.u32 v3, v4  }
0x44: {  	v4 =	vperm.xlane v3, v0;
	_ =	sdelay $0x1  }
0x45: {  	v4 =	vadd.s32 v1, v4;
	_ =	sdelay $0x3  }
0x46: {  	s0 =	rddreg [dreg:$0x9];
	v3 =	vperm.xlane v3, v2  }
0x47: {  	[tilespmem:s0], [sflag:$0x1] =	stream.indirect_vreg.gather [hbm4b:s3+s2], $0x80, v4, vm0, $0xb8;
	[tilespmem:$0x18080] =	vst v63  }
0x48: {  	s9 =	rddreg [dreg:$0xa];
	v3 =	vadd.s32 v1, v3  }
0x49: {  	[tilespmem:s9], [sflag:$0x1] =	stream.indirect_vreg.gather [hbm4b:s4+s2], $0x80, v4, vm0, $0xb8;
	[tilespmem:$0x18080] =	vst v63  }
0x4a: {  	s0 =	rddreg [dreg:$0xb]  }
0x4b: {  	[tilespmem:s0], [sflag:$0x1] =	stream.indirect_vreg.gather [hbm4b:s5+s2], $0x80, v4, vm0, $0xb8;
	[tilespmem:$0x18080] =	vst v63  }
0x4c: {  	s9 =	rddreg [dreg:$0xc]  }
0x4d: {  	[tilespmem:s9], [sflag:$0x1] =	stream.indirect_vreg.gather [hbm4b:s3+s2], $0x80, v3, vm0, $0xb8;
	[tilespmem:$0x18080] =	vst v63  }
0x4e: {  	s0 =	rddreg [dreg:$0xd]  }
0x4f: {  	[tilespmem:s0], [sflag:$0x1] =	stream.indirect_vreg.gather [hbm4b:s4+s2], $0x80, v3, vm0, $0xb8;
	[tilespmem:$0x18080] =	vst v63  }
0x50: {  	s9 =	rddreg [dreg:$0xe]  }
0x51: {  	[tilespmem:s9], [sflag:$0x1] =	stream.indirect_vreg.gather [hbm4b:s5+s2], $0x80, v3, vm0, $0xb8;
	[tilespmem:$0x18080] =	vst v63  }
0x52: {  	v3 =	vld [tilespmem:$0x20];
	_ =	sdelay $0x4  }
0x53: {  	v58 =	vshrl.u32 v3, $0x3  }
0x54: {  	v4 =	vmul.u32 $0x30, v58  }
0x55: {  	v3 =	vand.u32 $0x7, v3  }
0x56: {  	v3 =	vor.u32 v3, v4  }
0x57: {  	v4 =	vperm.xlane v3, v0;
	_ =	sdelay $0x1  }
0x58: {  	v4 =	vadd.s32 v1, v4;
	_ =	sdelay $0x3  }
0x59: {  	s0 =	rddreg [dreg:$0xf];
	v3 =	vperm.xlane v3, v2  }
0x5a: {  	[tilespmem:s0], [sflag:$0x1] =	stream.indirect_vreg.gather [hbm4b:s3+s2], $0x80, v4, vm0, $0xb8;
	[tilespmem:$0x18080] =	vst v63  }
0x5b: {  	s9 =	rddreg [dreg:$0x10];
	v3 =	vadd.s32 v1, v3  }
0x5c: {  	[tilespmem:s9], [sflag:$0x1] =	stream.indirect_vreg.gather [hbm4b:s4+s2], $0x80, v4, vm0, $0xb8;
	[tilespmem:$0x18080] =	vst v63  }
0x5d: {  	s0 =	rddreg [dreg:$0x11]  }
0x5e: {  	[tilespmem:s0], [sflag:$0x1] =	stream.indirect_vreg.gather [hbm4b:s5+s2], $0x80, v4, vm0, $0xb8;
	[tilespmem:$0x18080] =	vst v63  }
0x5f: {  	s9 =	rddreg [dreg:$0x12]  }
0x60: {  	[tilespmem:s9], [sflag:$0x1] =	stream.indirect_vreg.gather [hbm4b:s3+s2], $0x80, v3, vm0, $0xb8;
	[tilespmem:$0x18080] =	vst v63  }
0x61: {  	s0 =	rddreg [dreg:$0x13]  }
0x62: {  	[tilespmem:s0], [sflag:$0x1] =	stream.indirect_vreg.gather [hbm4b:s4+s2], $0x80, v3, vm0, $0xb8;
	[tilespmem:$0x18080] =	vst v63  }
0x63: {  	s9 =	rddreg [dreg:$0x14]  }
0x64: {  	[tilespmem:s9], [sflag:$0x1] =	stream.indirect_vreg.gather [hbm4b:s5+s2], $0x80, v3, vm0, $0xb8;
	[tilespmem:$0x18080] =	vst v63  }
0x65: {  	v3 =	vld [tilespmem:$0x30];
	_ =	sdelay $0x4  }
0x66: {  	v59 =	vshrl.u32 v3, $0x3  }
0x67: {  	v4 =	vmul.u32 $0x30, v59  }
0x68: {  	v3 =	vand.u32 $0x7, v3  }
0x69: {  	v3 =	vor.u32 v3, v4  }
0x6a: {  	v4 =	vperm.xlane v3, v0;
	_ =	sdelay $0x1  }
0x6b: {  	v4 =	vadd.s32 v1, v4;
	_ =	sdelay $0x3  }
0x6c: {  	s0 =	rddreg [dreg:$0x15];
	v3 =	vperm.xlane v3, v2  }
0x6d: {  	[tilespmem:s0], [sflag:$0x1] =	stream.indirect_vreg.gather [hbm4b:s3+s2], $0x80, v4, vm0, $0xb8;
	[tilespmem:$0x18080] =	vst v63  }
0x6e: {  	s9 =	rddreg [dreg:$0x16];
	v3 =	vadd.s32 v1, v3  }
0x6f: {  	[tilespmem:s9], [sflag:$0x1] =	stream.indirect_vreg.gather [hbm4b:s4+s2], $0x80, v4, vm0, $0xb8;
	[tilespmem:$0x18080] =	vst v63  }
0x70: {  	s0 =	rddreg [dreg:$0x17]  }
0x71: {  	[tilespmem:s0], [sflag:$0x1] =	stream.indirect_vreg.gather [hbm4b:s5+s2], $0x80, v4, vm0, $0xb8;
	[tilespmem:$0x18080] =	vst v63  }
0x72: {  	s9 =	rddreg [dreg:$0x18]  }
0x73: {  	[tilespmem:s9], [sflag:$0x1] =	stream.indirect_vreg.gather [hbm4b:s3+s2], $0x80, v3, vm0, $0xb8;
	[tilespmem:$0x18080] =	vst v63  }
0x74: {  	s0 =	rddreg [dreg:$0x19]  }
0x75: {  	[tilespmem:s0], [sflag:$0x1] =	stream.indirect_vreg.gather [hbm4b:s4+s2], $0x80, v3, vm0, $0xb8;
	[tilespmem:$0x18080] =	vst v63  }
0x76: {  	s9 =	rddreg [dreg:$0x1a]  }
0x77: {  	[tilespmem:s9], [sflag:$0x1] =	stream.indirect_vreg.gather [hbm4b:s5+s2], $0x80, v3, vm0, $0xb8;
	[tilespmem:$0x18080] =	vst v63  }
0x78: {  	v3 =	vld [tilespmem:$0x40];
	_ =	sdelay $0x4  }
0x79: {  	v60 =	vshrl.u32 v3, $0x3  }
0x7a: {  	v4 =	vmul.u32 $0x30, v60  }
0x7b: {  	v3 =	vand.u32 $0x7, v3  }
0x7c: {  	v3 =	vor.u32 v3, v4  }
0x7d: {  	v4 =	vperm.xlane v3, v0;
	_ =	sdelay $0x1  }
0x7e: {  	v4 =	vadd.s32 v1, v4;
	_ =	sdelay $0x3  }
0x7f: {  	s0 =	rddreg [dreg:$0x1b];
	v3 =	vperm.xlane v3, v2  }
0x80: {  	[tilespmem:s0], [sflag:$0x1] =	stream.indirect_vreg.gather [hbm4b:s3+s2], $0x80, v4, vm0, $0xb8;
	[tilespmem:$0x18080] =	vst v63  }
0x81: {  	s9 =	rddreg [dreg:$0x1c];
	v3 =	vadd.s32 v1, v3  }
0x82: {  	[tilespmem:s9], [sflag:$0x1] =	stream.indirect_vreg.gather [hbm4b:s4+s2], $0x80, v4, vm0, $0xb8;
	[tilespmem:$0x18080] =	vst v63  }
0x83: {  	s9 =	simm.s32 $0xD080  }
0x84: {  	[tilespmem:s9], [sflag:$0x1] =	stream.indirect_vreg.gather [hbm4b:s5+s2], $0x80, v4, vm0, $0xb8;
	[tilespmem:$0x18080] =	vst v63  }
0x85: {  	_ = 	snop  }
0x86: {  	[tilespmem:s10], [sflag:$0x1] =	stream.indirect_vreg.gather [hbm4b:s3+s2], $0x80, v3, vm0, $0xb8;
	[tilespmem:$0x18080] =	vst v63  }
0x87: {  	_ = 	snop  }
0x88: {  	[tilespmem:s11], [sflag:$0x1] =	stream.indirect_vreg.gather [hbm4b:s4+s2], $0x80, v3, vm0, $0xb8;
	[tilespmem:$0x18080] =	vst v63  }
0x89: {  	_ = 	snop  }
0x8a: {  	[tilespmem:s12], [sflag:$0x1] =	stream.indirect_vreg.gather [hbm4b:s5+s2], $0x80, v3, vm0, $0xb8;
	[tilespmem:$0x18080] =	vst v63  }
0x8b: {  	v3 =	vld [tilespmem:$0x50];
	_ =	sdelay $0x4  }
0x8c: {  	v61 =	vshrl.u32 v3, $0x3  }
0x8d: {  	v4 =	vmul.u32 $0x30, v61  }
0x8e: {  	v3 =	vand.u32 $0x7, v3  }
0x8f: {  	v3 =	vor.u32 v3, v4  }
0x90: {  	v4 =	vperm.xlane v3, v0;
	_ =	sdelay $0x1  }
0x91: {  	v4 =	vadd.s32 v1, v4;
	_ =	sdelay $0x3  }
0x92: {  	v3 =	vperm.xlane v3, v2  }
0x93: {  	[tilespmem:s13], [sflag:$0x1] =	stream.indirect_vreg.gather [hbm4b:s3+s2], $0x80, v4, vm0, $0xb8;
	[tilespmem:$0x18080] =	vst v63  }
0x94: {  	v3 =	vadd.s32 v1, v3  }
0x95: {  	[tilespmem:s14], [sflag:$0x1] =	stream.indirect_vreg.gather [hbm4b:s4+s2], $0x80, v4, vm0, $0xb8;
	[tilespmem:$0x18080] =	vst v63  }
0x96: {  	_ = 	snop  }
0x97: {  	[tilespmem:s15], [sflag:$0x1] =	stream.indirect_vreg.gather [hbm4b:s5+s2], $0x80, v4, vm0, $0xb8;
	[tilespmem:$0x18080] =	vst v63  }
0x98: {  	_ = 	snop  }
0x99: {  	[tilespmem:s16], [sflag:$0x1] =	stream.indirect_vreg.gather [hbm4b:s3+s2], $0x80, v3, vm0, $0xb8;
	[tilespmem:$0x18080] =	vst v63  }
0x9a: {  	_ = 	snop  }
0x9b: {  	[tilespmem:s17], [sflag:$0x1] =	stream.indirect_vreg.gather [hbm4b:s4+s2], $0x80, v3, vm0, $0xb8;
	[tilespmem:$0x18080] =	vst v63  }
0x9c: {  	_ = 	snop  }
0x9d: {  	[tilespmem:s18], [sflag:$0x1] =	stream.indirect_vreg.gather [hbm4b:s5+s2], $0x80, v3, vm0, $0xb8;
	[tilespmem:$0x18080] =	vst v63  }
0x9e: {  	v3 =	vld [tilespmem:$0x60];
	_ =	sdelay $0x4  }
0x9f: {  	v62 =	vshrl.u32 v3, $0x3  }
0xa0: {  	v4 =	vmul.u32 $0x30, v62  }
0xa1: {  	v3 =	vand.u32 $0x7, v3  }
0xa2: {  	v3 =	vor.u32 v3, v4  }
0xa3: {  	v4 =	vperm.xlane v3, v0;
	_ =	sdelay $0x1  }
0xa4: {  	v4 =	vadd.s32 v1, v4;
	_ =	sdelay $0x3  }
0xa5: {  	v3 =	vperm.xlane v3, v2  }
0xa6: {  	[tilespmem:s19], [sflag:$0x1] =	stream.indirect_vreg.gather [hbm4b:s3+s2], $0x80, v4, vm0, $0xb8;
	[tilespmem:$0x18080] =	vst v63  }
0xa7: {  	v3 =	vadd.s32 v1, v3  }
0xa8: {  	[tilespmem:s20], [sflag:$0x1] =	stream.indirect_vreg.gather [hbm4b:s4+s2], $0x80, v4, vm0, $0xb8;
	[tilespmem:$0x18080] =	vst v63  }
0xa9: {  	_ = 	snop  }
0xaa: {  	[tilespmem:s21], [sflag:$0x1] =	stream.indirect_vreg.gather [hbm4b:s5+s2], $0x80, v4, vm0, $0xb8;
	[tilespmem:$0x18080] =	vst v63  }
0xab: {  	_ = 	snop  }
0xac: {  	[tilespmem:s22], [sflag:$0x1] =	stream.indirect_vreg.gather [hbm4b:s3+s2], $0x80, v3, vm0, $0xb8;
	[tilespmem:$0x18080] =	vst v63  }
0xad: {  	_ = 	snop  }
0xae: {  	[tilespmem:s23], [sflag:$0x1] =	stream.indirect_vreg.gather [hbm4b:s4+s2], $0x80, v3, vm0, $0xb8;
	[tilespmem:$0x18080] =	vst v63  }
0xaf: {  	_ = 	snop  }
0xb0: {  	[tilespmem:s24], [sflag:$0x1] =	stream.indirect_vreg.gather [hbm4b:s5+s2], $0x80, v3, vm0, $0xb8;
	[tilespmem:$0x18080] =	vst v63  }
0xb1: {  	v3 =	vld [tilespmem:$0x70];
	_ =	sdelay $0x4  }
0xb2: {  	v63 =	vshrl.u32 v3, $0x3  }
0xb3: {  	v4 =	vmul.u32 $0x30, v63  }
0xb4: {  	v3 =	vand.u32 $0x7, v3  }
0xb5: {  	v3 =	vor.u32 v3, v4  }
0xb6: {  	v4 =	vperm.xlane v3, v0;
	_ =	sdelay $0x1  }
0xb7: {  	v4 =	vadd.s32 v1, v4;
	_ =	sdelay $0x3  }
0xb8: {  	v3 =	vperm.xlane v3, v2  }
0xb9: {  	[tilespmem:s25], [sflag:$0x1] =	stream.indirect_vreg.gather [hbm4b:s3+s2], $0x80, v4, vm0, $0xb8;
	[tilespmem:$0x18080] =	vst v63  }
0xba: {  	v3 =	vadd.s32 v1, v3  }
0xbb: {  	[tilespmem:s26], [sflag:$0x1] =	stream.indirect_vreg.gather [hbm4b:s4+s2], $0x80, v4, vm0, $0xb8;
	[tilespmem:$0x18080] =	vst v63  }
0xbc: {  	_ = 	snop  }
0xbd: {  	[tilespmem:s28], [sflag:$0x1] =	stream.indirect_vreg.gather [hbm4b:s5+s2], $0x80, v4, vm0, $0xb8;
	[tilespmem:$0x18080] =	vst v63  }
0xbe: {  	_ = 	snop  }
0xbf: {  	[tilespmem:s29], [sflag:$0x1] =	stream.indirect_vreg.gather [hbm4b:s3+s2], $0x80, v3, vm0, $0xb8;
	[tilespmem:$0x18080] =	vst v63  }
0xc0: {  	_ = 	snop  }
0xc1: {  	[tilespmem:s30], [sflag:$0x1] =	stream.indirect_vreg.gather [hbm4b:s4+s2], $0x80, v3, vm0, $0xb8;
	[tilespmem:$0x18080] =	vst v63  }
0xc2: {  	_ = 	snop  }
0xc3: {  	[tilespmem:s31], [sflag:$0x1] =	stream.indirect_vreg.gather [hbm4b:s5+s2], $0x80, v3, vm0, $0xb8;
	[tilespmem:$0x18080] =	vst v63  }
0xc4: {  	_ =	swait.ge [sflag:s1], $0x18000  }
0xc5: {  	p0 =	sne.s32 s6, $0x1;
	[sflag:s1] =	ssyncset.done $0x0  }
.Ltmp0:
0xc6: {  	s9 =	rddreg [dreg:$0x3];
	[sflag:s1] =	ssyncadd.s32 $0xFFFE8000;
	(pc) =	sbr.rel @p0 .LBB2_1-.Ltmp0, $4  }
0xc7: {  	[hbm4b:s9+s2] =	stream.linear.scatter [tilespmem:s8], [sflag:$0x2], $0x18000, $0x38;
	[tilespmem:$0x18080] =	vst v63  }
0xc8: {  	_ =	swait.ge [sflag:s7], $0x18000  }
0xc9: {  	[sflag:s7] =	ssyncset.done $0x0  }
0xca: {  	s6 =	sadd.s32 $0xFFFFFFFF, s6;
	[sflag:s7] =	ssyncadd.s32 $0xFFFE8000  }
0xcb: {  	_ =	sfence.sel $0x180000  }
0xcc: {  	[bflag:$0x0] =	sbarrier.arrive $0xFFFF  }
0xcd: {  	_ =	strace $0x9000004A  }
0xce: {  	s0 =	stileid.u32;
	[bflag:$0x2] =	sbarrier.arrive $0xFFFF  }
0xcf: {  	p0 =	sne.s32 s0, $0x0;
	s0 =	rddreg [dreg:$0x1]  }
0xd0: {  	s0 =	sadd.s32 @!p0 $0x100000, s0  }
0xd1: {  	[sflag:s0] =	ssyncadd.tile.s32 @!p0 $0x1;
	_ =	shalt  }
.Lfunc_end2:
_tile_overlayer_lowered:
.L_overlay_start_2:
0xd2: {  	(tag) =	ssettag $0x2  }
0xd3: {  	s0 =	rddreg [dreg:$0x0];
	s2 =	stileid.u32  }
0xd4: {  	s1 =	rddreg [dreg:$0x1];
	p0 =	sne.s32 s2, $0x0  }
0xd5: {  	s3 =	rddreg [dreg:$0x2];
	[bflag:$0x3] =	sbarrier.arrive $0xFFFF;
	s2 =	simm.s32 @!p0 $0x1C02  }
0xd6: {  	[timem:s3], [sflag:s2] =	dma.local @!p0 [hbm:s0], s1  }
0xd7: {  	s0 =	simm.s32 @!p0 $0x2  }
0xd8: {  	_ =	swait.ge @!p0 [sflag:s0], s1  }
0xd9: {  	s1 =	ssub.s32 @!p0 $0x0, s1;
	[sflag:s0] =	ssyncset.done @!p0 $0x0  }
0xda: {  	[sflag:s0] =	ssyncadd.s32 @!p0 s1  }
0xdb: {  	[bflag:$0x3] =	sbarrier.arrive $0xFFFF  }
0xdc: {  	_ =	shalt  }

// kernel: kernel.9.cloned.1.call-start
scs
__scs_entry_jumppad:
0x0: {  	(pc) =	sbr.rel $0x88, $3  }
0x1: {  	(tag) =	ssettag $0x0;
	lr =	simm.s32 $0x1  }
0x2: {  	[smem:$0x3F92] =	sst lr;
	_ =	strace $0xD0000000  }
0x3: {  	_ = 	snop  }
0x4: {  	_ = 	snop  }
0x5: {  	_ = 	snop  }
0x6: {  	_ = 	snop  }
0x7: {  	_ = 	snop  }
__scs_overlays_trampoline_lowered:
0x8: {  	[smem:$0x3FA1] =	sst s0  }
0x9: {  	[smem:$0x3FA2] =	sst s1  }
0xa: {  	[smem:$0x3FA3] =	sst s2  }
0xb: {  	[smem:$0x3FA4] =	sst s3  }
0xc: {  	[smem:$0x3FA5] =	sst s4  }
0xd: {  	[smem:$0x3FA6] =	sst s5  }
0xe: {  	[smem:$0x3FA7] =	sst s6  }
0xf: {  	[smem:$0x3FA8] =	sst s7  }
0x10: {  	[smem:$0x3FA9] =	sst s8  }
0x11: {  	[smem:$0x3FAA] =	sst s9;
	s0 =	simm.s32 @!p0 $0x0  }
0x12: {  	s1 =	sld [smem:$0x3F90];
	s0 =	simm.s32 @p0 $0x1  }
0x13: {  	[smem:$0x3FAB] =	sst s0;
	s0 =	simm.s32 @!p1 $0x0  }
0x14: {  	s2 =	sld [smem:$0x3F8F];
	s0 =	simm.s32 @p1 $0x1  }
0x15: {  	[smem:$0x3FAC] =	sst s0;
	s0 =	simm.s32 @!p2 $0x0  }
0x16: {  	s3 =	sld [smem:$0x3FDB];
	s0 =	simm.s32 @p2 $0x1  }
0x17: {  	s4 =	simm.s32 $0x1BF5;
	[smem:$0x3FAE] =	sst s0  }
0x18: {  	s0 =	sld [smem:$0x3F91];
	_ =	swait.ge [sflag:s4], $0x0  }
0x19: {  	s7 =	sld [smem:$0x3F92]  }
0x1a: {  	s8 =	sadd.s32 $0xFFFFE003, lr  }
0x1b: {  	s9 =	sadd.s32 $0xFFFFFEF7, lr;
	s5 =	simm.s32 $0xFFFFFFFF;
	p2 =	slt.u32 s8, $0xFFFFF086  }
0x1c: {  	p1 =	slt.u32 s9, $0xF7A;
	s5 =	simm.s32 @!p2 $0x0  }
0x1d: {  	s5 =	simm.s32 @p1 $0x1;
	p0 =	seq.s32 s7, s2  }
0x1e: {  	s7 =	smul.u32 @!p0 $0xF7A, s2;
	p2 =	seq.s32 @!p0 s5, $0x0  }
0x1f: {  	s9 =	smul.u32 $0xF7A, s1;
	s8 =	simm.s32 @!p0 $0x1BF5;
	p2 =	por !p2, p0  }
0x20: {  	[sflag:s8] =	ssyncset.s32 @!p0 $0xFFFFF086;
	s6 =	sadd.s32 @!p0 s3, s7;
	s7 =	simm.s32 @!p0 $0x108  }
0x21: {  	s3 =	sadd.s32 s3, s9;
	s6 =	sadd.s32 @!p0 $0x88, s6;
	s7 =	simm.s32 @p2 $0x1082  }
0x22: {  	[simem:s7], [sflag:s8] =	dma.local @!p0 [hbm:s6], $0xF7A  }
0x23: {  	s9 =	sor.u32 $0xD0000000, s2;
	s6 =	simm.s32 $0x108;
	_ =	swait.ge @!p0 [sflag:s8], $0x0  }
0x24: {  	s3 =	sadd.s32 $0x88, s3;
	s6 =	simm.s32 @!p1 $0x1082;
	[sflag:s4] =	ssyncset.s32 $0xFFFFF086  }
0x25: {  	[simem:s6], [sflag:s4] =	dma.local [hbm:s3], $0xF7A  }
0x26: {  	[smem:$0x3F92] =	sst s1;
	(tag) =	ssettag s2;
	_ =	strace s9  }
0x27: {  	s1 =	sld [smem:$0x3FA2]  }
0x28: {  	s2 =	sld [smem:$0x3FA3]  }
0x29: {  	s4 =	sld [smem:$0x3FA5]  }
0x2a: {  	p0 =	seq.s32 s5, $0x0;
	s5 =	sld [smem:$0x3FA6]  }
0x2b: {  	s6 =	sld [smem:$0x3FA7]  }
0x2c: {  	s7 =	sld [smem:$0x3FA8]  }
0x2d: {  	s3 =	simm.s32 $0x108;
	s8 =	sld [smem:$0x3FA9]  }
0x2e: {  	s3 =	simm.s32 @!p0 $0x1082;
	s9 =	sld [smem:$0x3FAA]  }
0x2f: {  	lr =	sadd.s32 s0, s3;
	s0 =	sld [smem:$0x3FA1]  }
0x30: {  	s3 =	sld [smem:$0x3FA4]  }
0x31: {  	[smem:$0x3FAD] =	sst s10  }
0x32: {  	s10 =	sld [smem:$0x3FAB];
	_ =	sdelay $0x3  }
0x33: {  	p0 =	seq.s32 s10, $0x1;
	s10 =	sld [smem:$0x3FAD];
	_ =	sdelay $0x3  }
0x34: {  	[smem:$0x3FAD] =	sst s10  }
0x35: {  	s10 =	sld [smem:$0x3FAC];
	_ =	sdelay $0x3  }
0x36: {  	p1 =	seq.s32 s10, $0x1;
	s10 =	sld [smem:$0x3FAD];
	_ =	sdelay $0x3  }
0x37: {  	[smem:$0x3FAD] =	sst s10  }
0x38: {  	s10 =	sld [smem:$0x3FAE]  }
0x39: {  	_ = 	snop;
	(pc) =	sbr.ind lr, $3  }
0x3a: {  	_ = 	snop  }
0x3b: {  	_ = 	snop  }
0x3c: {  	p2 =	seq.s32 s10, $0x1;
	s10 =	sld [smem:$0x3FAD]  }
0x3d: {  	_ =	shalt  }
0x3e: {  	_ =	shalt  }
0x3f: {  	_ =	shalt  }
0x40: {  	_ =	shalt  }
0x41: {  	_ =	shalt  }
0x42: {  	_ =	shalt  }
0x43: {  	_ =	shalt  }
0x44: {  	_ =	shalt  }
0x45: {  	_ =	shalt  }
0x46: {  	_ =	shalt  }
0x47: {  	_ =	shalt  }
0x48: {  	_ =	shalt  }
0x49: {  	_ =	shalt  }
0x4a: {  	_ =	shalt  }
0x4b: {  	_ =	shalt  }
0x4c: {  	_ =	shalt  }
0x4d: {  	_ =	shalt  }
0x4e: {  	_ =	shalt  }
0x4f: {  	_ =	shalt  }
0x50: {  	_ =	shalt  }
0x51: {  	_ =	shalt  }
0x52: {  	_ =	shalt  }
0x53: {  	_ =	shalt  }
0x54: {  	_ =	shalt  }
0x55: {  	_ =	shalt  }
0x56: {  	_ =	shalt  }
0x57: {  	_ =	shalt  }
0x58: {  	_ =	shalt  }
0x59: {  	_ =	shalt  }
0x5a: {  	_ =	shalt  }
0x5b: {  	_ =	shalt  }
0x5c: {  	_ =	shalt  }
0x5d: {  	_ =	shalt  }
0x5e: {  	_ =	shalt  }
0x5f: {  	_ =	shalt  }
0x60: {  	_ =	shalt  }
0x61: {  	_ =	shalt  }
0x62: {  	_ =	shalt  }
0x63: {  	_ =	shalt  }
0x64: {  	_ =	shalt  }
0x65: {  	_ =	shalt  }
0x66: {  	_ =	shalt  }
0x67: {  	_ =	shalt  }
0x68: {  	_ =	shalt  }
0x69: {  	_ =	shalt  }
0x6a: {  	_ =	shalt  }
0x6b: {  	_ =	shalt  }
0x6c: {  	_ =	shalt  }
0x6d: {  	_ =	shalt  }
0x6e: {  	_ =	shalt  }
0x6f: {  	_ =	shalt  }
0x70: {  	_ =	shalt  }
0x71: {  	_ =	shalt  }
0x72: {  	_ =	shalt  }
0x73: {  	_ =	shalt  }
0x74: {  	_ =	shalt  }
0x75: {  	_ =	shalt  }
0x76: {  	_ =	shalt  }
0x77: {  	_ =	shalt  }
0x78: {  	_ =	shalt  }
0x79: {  	_ =	shalt  }
0x7a: {  	_ =	shalt  }
0x7b: {  	_ =	shalt  }
0x7c: {  	_ =	shalt  }
0x7d: {  	_ =	shalt  }
0x7e: {  	_ =	shalt  }
0x7f: {  	_ =	shalt  }
0x80: {  	_ =	shalt  }
0x81: {  	_ =	shalt  }
0x82: {  	_ =	shalt  }
0x83: {  	_ =	shalt  }
0x84: {  	_ =	shalt  }
0x85: {  	_ =	shalt  }
0x86: {  	_ =	shalt  }
0x87: {  	_ =	shalt  }
.Lfunc_end0:
.L_simem_size_0:
called_computation_lowered:
.L_overlay_start_0:
0x88: {  	s2 =	sld [smem:$0x3FD9]  }
0x89: {  	s3 =	sld [smem:$0x3FFE];
	_ =	sdelay $0x1  }
0x8a: {  	s1 =	srdreg.scid  }
0x8b: {  	s0 =	sand.u32 $0x1, s1  }
0x8c: {  	s17 =	sshll.u32 s0, $0xA;
	s2 =	sadd.s32 s3, s2  }
0x8d: {  	s2 =	sadd.s32 s2, s17  }
0x8e: {  	[smem:$0x3FB9] =	sst s2  }
0x8f: {  	_ = 	snop  }
0x90: {  	s2 =	sld [smem:$0x3FD0];
	(tm) =	ssettm $0x1  }
0x91: {  	s18 =	sld [smem:$0x3FFB];
	_ =	sdelay $0x3  }
0x92: {  	_ =	strace s18  }
0x93: {  	s3 =	sld [smem:$0x3FFC];
	_ =	sdelay $0x3  }
0x94: {  	_ =	strace s3  }
0x95: {  	s3 =	sld [smem:$0x3FFD];
	_ =	sdelay $0x3  }
0x96: {  	_ =	strace s3  }
0x97: {  	_ =	strace $0x8FFFFFFF  }
0x98: {  	s19 =	sld [smem:$0x3FDB];
	_ =	sdelay $0x1  }
0x99: {  	s4 =	simm.s32 $_scs_section_size  }
0x9a: {  	s5 =	simm.s32 $_size__tile_overlayer_lowered;
	s6 =	simm.s32 $_tile_overlayer_lowered  }
0x9b: {  	s22 =	simm.s32 $0x1BFF;
	s21 =	sshll.u32 s6, $0x1;
	s3 =	sadd.s32 s4, s19  }
0x9c: {  	s7 =	simm.s32 $0x0;
	s20 =	sshll.u32 s5, $0x1;
	s5 =	sadd.s32 s21, s3  }
0x9d: {  	[timem:s7], [sflag:s22] =	dma.local [hbm:s5], s20  }
0x9e: {  	_ =	swait.ge [sflag:s22], s20  }
0x9f: {  	s4 =	ssub.s32 $0x0, s20;
	[sflag:s22] =	ssyncset.done $0x0  }
0xa0: {  	[sflag:s22] =	ssyncadd.s32 s4;
	_ =	sdelay $0x1  }
0xa1: {  	s23 =	simm.s32 $0x1B8B  }
0xa2: {  	_ =	swait.ge [sflag:s23], $0x1  }
0xa3: {  	[sflag:s23] =	ssyncset.done $0x0  }
0xa4: {  	s25 =	simm.s32 $0x1B8E;
	s24 =	sld [smem:$0x3FFE];
	[sflag:s23] =	ssyncadd.s32 $0xFFFFFFFF  }
0xa5: {  	s26 =	simm.s32 $execute0_lowered;
	[smem:$0x3FD2] =	sst s25  }
0xa6: {  	s5 =	sshll.u32 s26, $0x1;
	_ =	strace $0x80000046;
	[dreg:$0x1] =	wrdreg $0xFFFFFFFF  }
0xa7: {  	s28 =	simm.s32 $_size_execute0_lowered;
	s3 =	sadd.s32 s3, s5;
	[dreg:$0x0] =	wrdreg $0x0  }
0xa8: {  	s5 =	sshll.u32 s28, $0x1;
	[dreg:$0x2] =	wrdreg s3  }
0xa9: {  	[dreg:$0x3] =	wrdreg s5  }
0xaa: {  	[dreg:$0x4] =	wrdreg $0xC0  }
0xab: {  	_ =	task [dreg:s7], $0x5FFFF  }
0xac: {  	[dreg:$0x1] =	wrdreg $0xFFFFFFFF  }
0xad: {  	[dreg:$0x0] =	wrdreg $0x60  }
0xae: {  	[dreg:$0x2] =	wrdreg s2  }
0xaf: {  	[dreg:$0x3] =	wrdreg s24  }
0xb0: {  	[dreg:$0x4] =	wrdreg $0x9  }
0xb1: {  	_ =	task.clear_ibuf [dreg:s7], $0x5FFFF;
	_ =	strace $0x90000046  }
0xb2: {  	s29 =	simm.s32 $0x9;
	_ =	strace $0x80000048  }
0xb3: {  	_ =	swait.ge [sflag:s29], $0x1  }
0xb4: {  	[sflag:s29] =	ssyncadd.s32 $0xFFFFFFFF  }
0xb5: {  	_ =	strace $0x90000048  }
0xb6: {  	_ =	sfence  }
0xb7: {  	s30 =	sld [smem:$0x0];
	_ =	sdelay $0x2  }
0xb8: {  	s31 =	sshll.u32 s1, $0xD;
	s1 =	sshrl.u32 s1, $0x2  }
0xb9: {  	s3 =	sand.u32 $0x4000, s31;
	s1 =	sadd.s32 s1, s30  }
0xba: {  	s0 =	sor.u32 s3, s0;
	s1 =	sshll.u32 s1, $0x11  }
0xbb: {  	s0 =	sor.u32 s1, s0  }
0xbc: {  	s0 =	sadd.s32 $0x8F2B, s0  }
0xbd: {  	[sflag:s0] =	ssyncadd.remote.s32 $0x1  }
0xbe: {  	_ =	sfence.sel $0xFFFF  }
0xbf: {  	[dreg:$0x0] =	wrdreg $0xFFFFFFFF;
	(pc) =	sbr.abs _section_cstart, $3  }
0xc0: {  	[dreg:$0x1] =	wrdreg $0xFFFFFFFF  }
0xc1: {  	_ =	task.clear_ibuf [dreg:s7], $0x2FFFF;
	_ =	strace $0x9FFFFFFF  }
0xc2: {  	(tm) =	ssettm $0x7FFFFFFF  }
0xc3: {  	_ =	shalt  }
tec
execute0_lowered:
.L_overlay_start_1:
0x0: {  	(tag) =	ssettag $0x1  }
0x1: {  	s1 =	srdreg.scid  }
0x2: {  	s0 =	stileid.u32;
	s1 =	sand.u32 $0x1, s1  }
0x3: {  	s4 =	rddreg [dreg:$0x0];
	s2 =	sshll.u32 s0, $0x8;
	s3 =	sshll.u32 s1, $0x7  }
0x4: {  	s6 =	rddreg [dreg:$0x1];
	s3 =	sor.u32 s3, s2  }
0x5: {  	p0 =	sgt.u32 s0, $0x7;
	s5 =	sshrl.u32 s3, $0x3;
	s2 =	sadd.s32 $0xFFFFF800, s3  }
0x6: {  	s3 =	smov.u32 @p0 s2;
	s2 =	simm.s32 $0x0;
	s5 =	sadd.s32 s5, s6  }
0x7: {  	[smem:$0x7FF] =	sst s2;
	s5 =	sadd.s32 $0x3200, s5  }
0x8: {  	s25 =	simm.s32 $0x880;
	_ =	strace $0x80000047;
	[dreg:$0x3] =	wrdreg s5  }
0x9: {  	s26 =	simm.s32 $0x1080;
	[dreg:$0x5] =	wrdreg s25  }
0xa: {  	s0 =	simm.s32 $0x1880;
	[dreg:$0x6] =	wrdreg s26  }
0xb: {  	s7 =	simm.s32 $0x3080;
	[dreg:$0x7] =	wrdreg s0  }
0xc: {  	s8 =	simm.s32 $0x3880;
	[dreg:$0xa] =	wrdreg s7  }
0xd: {  	s9 =	simm.s32 $0x4080;
	[dreg:$0xb] =	wrdreg s8  }
0xe: {  	s10 =	simm.s32 $0x4880;
	[dreg:$0xc] =	wrdreg s9  }
0xf: {  	s11 =	simm.s32 $0x5080;
	[dreg:$0xd] =	wrdreg s10  }
0x10: {  	s12 =	simm.s32 $0x5880;
	[dreg:$0xe] =	wrdreg s11  }
0x11: {  	s13 =	simm.s32 $0x6080;
	[dreg:$0xf] =	wrdreg s12  }
0x12: {  	s14 =	simm.s32 $0x6880;
	s15 =	simm.s32 $0x7080;
	[dreg:$0x10] =	wrdreg s13  }
0x13: {  	s16 =	simm.s32 $0x7880;
	s17 =	simm.s32 $0x8080;
	[dreg:$0x11] =	wrdreg s14  }
0x14: {  	s18 =	simm.s32 $0x8880;
	s19 =	simm.s32 $0x9080;
	[dreg:$0x12] =	wrdreg s15  }
0x15: {  	s21 =	simm.s32 $0x9880;
	s22 =	simm.s32 $0xA080;
	[dreg:$0x13] =	wrdreg s16  }
0x16: {  	s23 =	simm.s32 $0xB080;
	s24 =	simm.s32 $0xB880;
	[dreg:$0x14] =	wrdreg s17  }
0x17: {  	s28 =	simm.s32 $0x16080;
	s29 =	simm.s32 $0x16880;
	[dreg:$0x15] =	wrdreg s18  }
0x18: {  	s30 =	simm.s32 $0x17080;
	s1 =	ssub.s32 $0x2, s1;
	[dreg:$0x16] =	wrdreg s19  }
0x19: {  	s31 =	simm.s32 $0x17880;
	s20 =	sshrl.u32 s1, $0x1;
	[dreg:$0x17] =	wrdreg s21  }
0x1a: {  	s1 =	ssub.s32 s1, s20;
	s3 =	sshrl.u32 s3, $0x3;
	[dreg:$0x18] =	wrdreg s22  }
0x1b: {  	s20 =	simm.s32 $0x12880;
	s3 =	smul.u32 $0x300, s3;
	[dreg:$0x1a] =	wrdreg s23  }
0x1c: {  	s5 =	simm.s32 $0x2880;
	s7 =	simm.s32 $0xA880;
	[dreg:$0x1b] =	wrdreg s24  }
0x1d: {  	s25 =	simm.s32 $0xC080;
	s8 =	simm.s32 $0x80;
	s26 =	simm.s32 $0xC880  }
0x1e: {  	s10 =	simm.s32 $0xD880;
	s11 =	simm.s32 $0xE080;
	s12 =	simm.s32 $0xE880  }
0x1f: {  	s13 =	simm.s32 $0xF080;
	s14 =	simm.s32 $0xF880;
	s15 =	simm.s32 $0x10080  }
0x20: {  	s16 =	simm.s32 $0x10880;
	s17 =	simm.s32 $0x11080;
	s18 =	simm.s32 $0x11880  }
0x21: {  	s19 =	simm.s32 $0x12080;
	s21 =	simm.s32 $0x13080;
	[dreg:$0x9] =	wrdreg s5  }
0x22: {  	s22 =	simm.s32 $0x13880;
	s23 =	simm.s32 $0x14080;
	[dreg:$0x19] =	wrdreg s7  }
0x23: {  	s24 =	simm.s32 $0x14880;
	s5 =	sadd.s32 $0x63600, s6;
	[dreg:$0x1c] =	wrdreg s25  }
0x24: {  	s7 =	simm.s32 $0x2;
	[dreg:$0x1d] =	wrdreg s26;
	s3 =	sadd.s32 s4, s3  }
0x25: {  	v2 =	vlaneseq.u32;
	s25 =	simm.s32 $0x15080;
	s4 =	simm.s32 $0x2080;
	[dreg:$0x4] =	wrdreg s3  }
0x26: {  	vm0 =	vmmov $0xffff;
	v1 =	vshrl.u32 v2, $0x3;
	s26 =	simm.s32 $0x15880;
	[dreg:$0x8] =	wrdreg s4;
	s3 =	sadd.s32 $0x63400, s6  }
0x27: {  	v0 =	vand.u32 $0x7, v2;
	v2 =	vor.u32 $0x8, v2;
	v1 =	vmul.u32 $0x8, v1;
	s4 =	sadd.s32 $0x63500, s6;
	s6 =	smax.u32 s1, $0x1;
	s1 =	simm.s32 $0x1  }
.LBB2_1:
0x28: {  	s0 =	rddreg [dreg:$0x3]  }
0x29: {  	[tilespmem:s2], [sflag:$0x2] =	stream.linear.gather [hbm4b:s0+s2], $0x80, $0x38;
	[tilespmem:$0x18080] =	vst v63  }
0x2a: {  	_ =	swait.ge [sflag:s7], $0x80  }
0x2b: {  	[sflag:s7] =	ssyncset.done $0x0  }
0x2c: {  	s9 =	rddreg [dreg:$0x4];
	[sflag:s7] =	ssyncadd.s32 $0xFFFFFF80  }
0x2d: {  	[tilespmem:s8], [sflag:$0x2] =	stream.linear.gather [hbm4b:s9+s2], $0x18000, $0x38;
	[tilespmem:$0x18080] =	vst v63  }
0x2e: {  	_ =	swait.ge [sflag:s7], $0x18000  }
0x2f: {  	[sflag:s7] =	ssyncset.done $0x0  }
0x30: {  	[sflag:s7] =	ssyncadd.s32 $0xFFFE8000  }
0x31: {  	v3 =	vld [tilespmem:$0x0];
	_ =	sdelay $0x4  }
0x32: {  	v4 =	vshrl.u32 v3, $0x3  }
0x33: {  	v4 =	vmul.u32 $0x30, v4  }
0x34: {  	v3 =	vand.u32 $0x7, v3  }
0x35: {  	v3 =	vor.u32 v3, v4  }
0x36: {  	v4 =	vperm.xlane v3, v0;
	_ =	sdelay $0x1  }
0x37: {  	v4 =	vadd.s32 v1, v4;
	_ =	sdelay $0x3  }
0x38: {  	v3 =	vperm.xlane v3, v2  }
0x39: {  	[hbm4b:s3+s2] =	stream.indirect_vreg.scatter [tilespmem:s8], [sflag:$0x1], $0x80, v4, vm0, $0xb8;
	[tilespmem:$0x18080] =	vst v63  }
0x3a: {  	s0 =	rddreg [dreg:$0x5];
	v3 =	vadd.s32 v1, v3  }
0x3b: {  	[hbm4b:s4+s2] =	stream.indirect_vreg.scatter [tilespmem:s0], [sflag:$0x1], $0x80, v4, vm0, $0xb8;
	[tilespmem:$0x18080] =	vst v63  }
0x3c: {  	s9 =	rddreg [dreg:$0x6]  }
0x3d: {  	[hbm4b:s5+s2] =	stream.indirect_vreg.scatter [tilespmem:s9], [sflag:$0x1], $0x80, v4, vm0, $0xb8;
	[tilespmem:$0x18080] =	vst v63  }
0x3e: {  	s0 =	rddreg [dreg:$0x7]  }
0x3f: {  	[hbm4b:s3+s2] =	stream.indirect_vreg.scatter [tilespmem:s0], [sflag:$0x1], $0x80, v3, vm0, $0xb8;
	[tilespmem:$0x18080] =	vst v63  }
0x40: {  	s9 =	rddreg [dreg:$0x8]  }
0x41: {  	[hbm4b:s4+s2] =	stream.indirect_vreg.scatter [tilespmem:s9], [sflag:$0x1], $0x80, v3, vm0, $0xb8;
	[tilespmem:$0x18080] =	vst v63  }
0x42: {  	s0 =	rddreg [dreg:$0x9]  }
0x43: {  	[hbm4b:s5+s2] =	stream.indirect_vreg.scatter [tilespmem:s0], [sflag:$0x1], $0x80, v3, vm0, $0xb8;
	[tilespmem:$0x18080] =	vst v63  }
0x44: {  	v3 =	vld [tilespmem:$0x10];
	_ =	sdelay $0x4  }
0x45: {  	v57 =	vshrl.u32 v3, $0x3  }
0x46: {  	v4 =	vmul.u32 $0x30, v57  }
0x47: {  	v3 =	vand.u32 $0x7, v3  }
0x48: {  	v3 =	vor.u32 v3, v4  }
0x49: {  	v4 =	vperm.xlane v3, v0;
	_ =	sdelay $0x1  }
0x4a: {  	v4 =	vadd.s32 v1, v4;
	_ =	sdelay $0x3  }
0x4b: {  	s0 =	rddreg [dreg:$0xa];
	v3 =	vperm.xlane v3, v2  }
0x4c: {  	[hbm4b:s3+s2] =	stream.indirect_vreg.scatter [tilespmem:s0], [sflag:$0x1], $0x80, v4, vm0, $0xb8;
	[tilespmem:$0x18080] =	vst v63  }
0x4d: {  	s9 =	rddreg [dreg:$0xb];
	v3 =	vadd.s32 v1, v3  }
0x4e: {  	[hbm4b:s4+s2] =	stream.indirect_vreg.scatter [tilespmem:s9], [sflag:$0x1], $0x80, v4, vm0, $0xb8;
	[tilespmem:$0x18080] =	vst v63  }
0x4f: {  	s0 =	rddreg [dreg:$0xc]  }
0x50: {  	[hbm4b:s5+s2] =	stream.indirect_vreg.scatter [tilespmem:s0], [sflag:$0x1], $0x80, v4, vm0, $0xb8;
	[tilespmem:$0x18080] =	vst v63  }
0x51: {  	s9 =	rddreg [dreg:$0xd]  }
0x52: {  	[hbm4b:s3+s2] =	stream.indirect_vreg.scatter [tilespmem:s9], [sflag:$0x1], $0x80, v3, vm0, $0xb8;
	[tilespmem:$0x18080] =	vst v63  }
0x53: {  	s0 =	rddreg [dreg:$0xe]  }
0x54: {  	[hbm4b:s4+s2] =	stream.indirect_vreg.scatter [tilespmem:s0], [sflag:$0x1], $0x80, v3, vm0, $0xb8;
	[tilespmem:$0x18080] =	vst v63  }
0x55: {  	s9 =	rddreg [dreg:$0xf]  }
0x56: {  	[hbm4b:s5+s2] =	stream.indirect_vreg.scatter [tilespmem:s9], [sflag:$0x1], $0x80, v3, vm0, $0xb8;
	[tilespmem:$0x18080] =	vst v63  }
0x57: {  	v3 =	vld [tilespmem:$0x20];
	_ =	sdelay $0x4  }
0x58: {  	v58 =	vshrl.u32 v3, $0x3  }
0x59: {  	v4 =	vmul.u32 $0x30, v58  }
0x5a: {  	v3 =	vand.u32 $0x7, v3  }
0x5b: {  	v3 =	vor.u32 v3, v4  }
0x5c: {  	v4 =	vperm.xlane v3, v0;
	_ =	sdelay $0x1  }
0x5d: {  	v4 =	vadd.s32 v1, v4;
	_ =	sdelay $0x3  }
0x5e: {  	s0 =	rddreg [dreg:$0x10];
	v3 =	vperm.xlane v3, v2  }
0x5f: {  	[hbm4b:s3+s2] =	stream.indirect_vreg.scatter [tilespmem:s0], [sflag:$0x1], $0x80, v4, vm0, $0xb8;
	[tilespmem:$0x18080] =	vst v63  }
0x60: {  	s9 =	rddreg [dreg:$0x11];
	v3 =	vadd.s32 v1, v3  }
0x61: {  	[hbm4b:s4+s2] =	stream.indirect_vreg.scatter [tilespmem:s9], [sflag:$0x1], $0x80, v4, vm0, $0xb8;
	[tilespmem:$0x18080] =	vst v63  }
0x62: {  	s0 =	rddreg [dreg:$0x12]  }
0x63: {  	[hbm4b:s5+s2] =	stream.indirect_vreg.scatter [tilespmem:s0], [sflag:$0x1], $0x80, v4, vm0, $0xb8;
	[tilespmem:$0x18080] =	vst v63  }
0x64: {  	s9 =	rddreg [dreg:$0x13]  }
0x65: {  	[hbm4b:s3+s2] =	stream.indirect_vreg.scatter [tilespmem:s9], [sflag:$0x1], $0x80, v3, vm0, $0xb8;
	[tilespmem:$0x18080] =	vst v63  }
0x66: {  	s0 =	rddreg [dreg:$0x14]  }
0x67: {  	[hbm4b:s4+s2] =	stream.indirect_vreg.scatter [tilespmem:s0], [sflag:$0x1], $0x80, v3, vm0, $0xb8;
	[tilespmem:$0x18080] =	vst v63  }
0x68: {  	s9 =	rddreg [dreg:$0x15]  }
0x69: {  	[hbm4b:s5+s2] =	stream.indirect_vreg.scatter [tilespmem:s9], [sflag:$0x1], $0x80, v3, vm0, $0xb8;
	[tilespmem:$0x18080] =	vst v63  }
0x6a: {  	v3 =	vld [tilespmem:$0x30];
	_ =	sdelay $0x4  }
0x6b: {  	v59 =	vshrl.u32 v3, $0x3  }
0x6c: {  	v4 =	vmul.u32 $0x30, v59  }
0x6d: {  	v3 =	vand.u32 $0x7, v3  }
0x6e: {  	v3 =	vor.u32 v3, v4  }
0x6f: {  	v4 =	vperm.xlane v3, v0;
	_ =	sdelay $0x1  }
0x70: {  	v4 =	vadd.s32 v1, v4;
	_ =	sdelay $0x3  }
0x71: {  	s0 =	rddreg [dreg:$0x16];
	v3 =	vperm.xlane v3, v2  }
0x72: {  	[hbm4b:s3+s2] =	stream.indirect_vreg.scatter [tilespmem:s0], [sflag:$0x1], $0x80, v4, vm0, $0xb8;
	[tilespmem:$0x18080] =	vst v63  }
0x73: {  	s9 =	rddreg [dreg:$0x17];
	v3 =	vadd.s32 v1, v3  }
0x74: {  	[hbm4b:s4+s2] =	stream.indirect_vreg.scatter [tilespmem:s9], [sflag:$0x1], $0x80, v4, vm0, $0xb8;
	[tilespmem:$0x18080] =	vst v63  }
0x75: {  	s0 =	rddreg [dreg:$0x18]  }
0x76: {  	[hbm4b:s5+s2] =	stream.indirect_vreg.scatter [tilespmem:s0], [sflag:$0x1], $0x80, v4, vm0, $0xb8;
	[tilespmem:$0x18080] =	vst v63  }
0x77: {  	s9 =	rddreg [dreg:$0x19]  }
0x78: {  	[hbm4b:s3+s2] =	stream.indirect_vreg.scatter [tilespmem:s9], [sflag:$0x1], $0x80, v3, vm0, $0xb8;
	[tilespmem:$0x18080] =	vst v63  }
0x79: {  	s0 =	rddreg [dreg:$0x1a]  }
0x7a: {  	[hbm4b:s4+s2] =	stream.indirect_vreg.scatter [tilespmem:s0], [sflag:$0x1], $0x80, v3, vm0, $0xb8;
	[tilespmem:$0x18080] =	vst v63  }
0x7b: {  	s9 =	rddreg [dreg:$0x1b]  }
0x7c: {  	[hbm4b:s5+s2] =	stream.indirect_vreg.scatter [tilespmem:s9], [sflag:$0x1], $0x80, v3, vm0, $0xb8;
	[tilespmem:$0x18080] =	vst v63  }
0x7d: {  	v3 =	vld [tilespmem:$0x40];
	_ =	sdelay $0x4  }
0x7e: {  	v60 =	vshrl.u32 v3, $0x3  }
0x7f: {  	v4 =	vmul.u32 $0x30, v60  }
0x80: {  	v3 =	vand.u32 $0x7, v3  }
0x81: {  	v3 =	vor.u32 v3, v4  }
0x82: {  	v4 =	vperm.xlane v3, v0;
	_ =	sdelay $0x1  }
0x83: {  	v4 =	vadd.s32 v1, v4;
	_ =	sdelay $0x3  }
0x84: {  	s0 =	rddreg [dreg:$0x1c];
	v3 =	vperm.xlane v3, v2  }
0x85: {  	[hbm4b:s3+s2] =	stream.indirect_vreg.scatter [tilespmem:s0], [sflag:$0x1], $0x80, v4, vm0, $0xb8;
	[tilespmem:$0x18080] =	vst v63  }
0x86: {  	s9 =	rddreg [dreg:$0x1d];
	v3 =	vadd.s32 v1, v3  }
0x87: {  	[hbm4b:s4+s2] =	stream.indirect_vreg.scatter [tilespmem:s9], [sflag:$0x1], $0x80, v4, vm0, $0xb8;
	[tilespmem:$0x18080] =	vst v63  }
0x88: {  	s9 =	simm.s32 $0xD080  }
0x89: {  	[hbm4b:s5+s2] =	stream.indirect_vreg.scatter [tilespmem:s9], [sflag:$0x1], $0x80, v4, vm0, $0xb8;
	[tilespmem:$0x18080] =	vst v63  }
0x8a: {  	_ = 	snop  }
0x8b: {  	[hbm4b:s3+s2] =	stream.indirect_vreg.scatter [tilespmem:s10], [sflag:$0x1], $0x80, v3, vm0, $0xb8;
	[tilespmem:$0x18080] =	vst v63  }
0x8c: {  	_ = 	snop  }
0x8d: {  	[hbm4b:s4+s2] =	stream.indirect_vreg.scatter [tilespmem:s11], [sflag:$0x1], $0x80, v3, vm0, $0xb8;
	[tilespmem:$0x18080] =	vst v63  }
0x8e: {  	_ = 	snop  }
0x8f: {  	[hbm4b:s5+s2] =	stream.indirect_vreg.scatter [tilespmem:s12], [sflag:$0x1], $0x80, v3, vm0, $0xb8;
	[tilespmem:$0x18080] =	vst v63  }
0x90: {  	v3 =	vld [tilespmem:$0x50];
	_ =	sdelay $0x4  }
0x91: {  	v61 =	vshrl.u32 v3, $0x3  }
0x92: {  	v4 =	vmul.u32 $0x30, v61  }
0x93: {  	v3 =	vand.u32 $0x7, v3  }
0x94: {  	v3 =	vor.u32 v3, v4  }
0x95: {  	v4 =	vperm.xlane v3, v0;
	_ =	sdelay $0x1  }
0x96: {  	v4 =	vadd.s32 v1, v4;
	_ =	sdelay $0x3  }
0x97: {  	v3 =	vperm.xlane v3, v2  }
0x98: {  	[hbm4b:s3+s2] =	stream.indirect_vreg.scatter [tilespmem:s13], [sflag:$0x1], $0x80, v4, vm0, $0xb8;
	[tilespmem:$0x18080] =	vst v63  }
0x99: {  	v3 =	vadd.s32 v1, v3  }
0x9a: {  	[hbm4b:s4+s2] =	stream.indirect_vreg.scatter [tilespmem:s14], [sflag:$0x1], $0x80, v4, vm0, $0xb8;
	[tilespmem:$0x18080] =	vst v63  }
0x9b: {  	_ = 	snop  }
0x9c: {  	[hbm4b:s5+s2] =	stream.indirect_vreg.scatter [tilespmem:s15], [sflag:$0x1], $0x80, v4, vm0, $0xb8;
	[tilespmem:$0x18080] =	vst v63  }
0x9d: {  	_ = 	snop  }
0x9e: {  	[hbm4b:s3+s2] =	stream.indirect_vreg.scatter [tilespmem:s16], [sflag:$0x1], $0x80, v3, vm0, $0xb8;
	[tilespmem:$0x18080] =	vst v63  }
0x9f: {  	_ = 	snop  }
0xa0: {  	[hbm4b:s4+s2] =	stream.indirect_vreg.scatter [tilespmem:s17], [sflag:$0x1], $0x80, v3, vm0, $0xb8;
	[tilespmem:$0x18080] =	vst v63  }
0xa1: {  	_ = 	snop  }
0xa2: {  	[hbm4b:s5+s2] =	stream.indirect_vreg.scatter [tilespmem:s18], [sflag:$0x1], $0x80, v3, vm0, $0xb8;
	[tilespmem:$0x18080] =	vst v63  }
0xa3: {  	v3 =	vld [tilespmem:$0x60];
	_ =	sdelay $0x4  }
0xa4: {  	v62 =	vshrl.u32 v3, $0x3  }
0xa5: {  	v4 =	vmul.u32 $0x30, v62  }
0xa6: {  	v3 =	vand.u32 $0x7, v3  }
0xa7: {  	v3 =	vor.u32 v3, v4  }
0xa8: {  	v4 =	vperm.xlane v3, v0;
	_ =	sdelay $0x1  }
0xa9: {  	v4 =	vadd.s32 v1, v4;
	_ =	sdelay $0x3  }
0xaa: {  	v3 =	vperm.xlane v3, v2  }
0xab: {  	[hbm4b:s3+s2] =	stream.indirect_vreg.scatter [tilespmem:s19], [sflag:$0x1], $0x80, v4, vm0, $0xb8;
	[tilespmem:$0x18080] =	vst v63  }
0xac: {  	v3 =	vadd.s32 v1, v3  }
0xad: {  	[hbm4b:s4+s2] =	stream.indirect_vreg.scatter [tilespmem:s20], [sflag:$0x1], $0x80, v4, vm0, $0xb8;
	[tilespmem:$0x18080] =	vst v63  }
0xae: {  	_ = 	snop  }
0xaf: {  	[hbm4b:s5+s2] =	stream.indirect_vreg.scatter [tilespmem:s21], [sflag:$0x1], $0x80, v4, vm0, $0xb8;
	[tilespmem:$0x18080] =	vst v63  }
0xb0: {  	_ = 	snop  }
0xb1: {  	[hbm4b:s3+s2] =	stream.indirect_vreg.scatter [tilespmem:s22], [sflag:$0x1], $0x80, v3, vm0, $0xb8;
	[tilespmem:$0x18080] =	vst v63  }
0xb2: {  	_ = 	snop  }
0xb3: {  	[hbm4b:s4+s2] =	stream.indirect_vreg.scatter [tilespmem:s23], [sflag:$0x1], $0x80, v3, vm0, $0xb8;
	[tilespmem:$0x18080] =	vst v63  }
0xb4: {  	_ = 	snop  }
0xb5: {  	[hbm4b:s5+s2] =	stream.indirect_vreg.scatter [tilespmem:s24], [sflag:$0x1], $0x80, v3, vm0, $0xb8;
	[tilespmem:$0x18080] =	vst v63  }
0xb6: {  	v3 =	vld [tilespmem:$0x70];
	_ =	sdelay $0x4  }
0xb7: {  	v63 =	vshrl.u32 v3, $0x3  }
0xb8: {  	v4 =	vmul.u32 $0x30, v63  }
0xb9: {  	v3 =	vand.u32 $0x7, v3  }
0xba: {  	v3 =	vor.u32 v3, v4  }
0xbb: {  	v4 =	vperm.xlane v3, v0;
	_ =	sdelay $0x1  }
0xbc: {  	v4 =	vadd.s32 v1, v4;
	_ =	sdelay $0x3  }
0xbd: {  	v3 =	vperm.xlane v3, v2  }
0xbe: {  	[hbm4b:s3+s2] =	stream.indirect_vreg.scatter [tilespmem:s25], [sflag:$0x1], $0x80, v4, vm0, $0xb8;
	[tilespmem:$0x18080] =	vst v63  }
0xbf: {  	v3 =	vadd.s32 v1, v3  }
0xc0: {  	[hbm4b:s4+s2] =	stream.indirect_vreg.scatter [tilespmem:s26], [sflag:$0x1], $0x80, v4, vm0, $0xb8;
	[tilespmem:$0x18080] =	vst v63  }
0xc1: {  	_ = 	snop  }
0xc2: {  	[hbm4b:s5+s2] =	stream.indirect_vreg.scatter [tilespmem:s28], [sflag:$0x1], $0x80, v4, vm0, $0xb8;
	[tilespmem:$0x18080] =	vst v63  }
0xc3: {  	_ = 	snop  }
0xc4: {  	[hbm4b:s3+s2] =	stream.indirect_vreg.scatter [tilespmem:s29], [sflag:$0x1], $0x80, v3, vm0, $0xb8;
	[tilespmem:$0x18080] =	vst v63  }
0xc5: {  	p0 =	sne.s32 s6, $0x1  }
0xc6: {  	[hbm4b:s4+s2] =	stream.indirect_vreg.scatter [tilespmem:s30], [sflag:$0x1], $0x80, v3, vm0, $0xb8;
	[tilespmem:$0x18080] =	vst v63  }
.Ltmp0:
0xc7: {  	_ = 	snop;
	(pc) =	sbr.rel @p0 .LBB2_1-.Ltmp0, $4  }
0xc8: {  	[hbm4b:s5+s2] =	stream.indirect_vreg.scatter [tilespmem:s31], [sflag:$0x1], $0x80, v3, vm0, $0xb8;
	[tilespmem:$0x18080] =	vst v63  }
0xc9: {  	_ =	swait.ge [sflag:s1], $0x18000  }
0xca: {  	[sflag:s1] =	ssyncset.done $0x0  }
0xcb: {  	s6 =	sadd.s32 $0xFFFFFFFF, s6;
	[sflag:s1] =	ssyncadd.s32 $0xFFFE8000  }
0xcc: {  	_ =	sfence.sel $0x180000  }
0xcd: {  	[bflag:$0x0] =	sbarrier.arrive $0xFFFF  }
0xce: {  	_ =	strace $0x90000047  }
0xcf: {  	s0 =	stileid.u32;
	[bflag:$0x2] =	sbarrier.arrive $0xFFFF  }
0xd0: {  	p0 =	sne.s32 s0, $0x0;
	s0 =	rddreg [dreg:$0x2]  }
0xd1: {  	s0 =	sadd.s32 @!p0 $0x100000, s0  }
0xd2: {  	[sflag:s0] =	ssyncadd.tile.s32 @!p0 $0x1;
	_ =	shalt  }
.Lfunc_end2:
_tile_overlayer_lowered:
.L_overlay_start_2:
0xd3: {  	(tag) =	ssettag $0x2  }
0xd4: {  	s0 =	rddreg [dreg:$0x0];
	s2 =	stileid.u32  }
0xd5: {  	s1 =	rddreg [dreg:$0x1];
	p0 =	sne.s32 s2, $0x0  }
0xd6: {  	s3 =	rddreg [dreg:$0x2];
	[bflag:$0x3] =	sbarrier.arrive $0xFFFF;
	s2 =	simm.s32 @!p0 $0x1C02  }
0xd7: {  	[timem:s3], [sflag:s2] =	dma.local @!p0 [hbm:s0], s1  }
0xd8: {  	s0 =	simm.s32 @!p0 $0x2  }
0xd9: {  	_ =	swait.ge @!p0 [sflag:s0], s1  }
0xda: {  	s1 =	ssub.s32 @!p0 $0x0, s1;
	[sflag:s0] =	ssyncset.done @!p0 $0x0  }
0xdb: {  	[sflag:s0] =	ssyncadd.s32 @!p0 s1  }
0xdc: {  	[bflag:$0x3] =	sbarrier.arrive $0xFFFF  }
0xdd: {  	_ =	shalt  }

</sc_bundles>
